<compile_context>
chip_gen: v7x
topology: tpu7x:2x2x1
jax: 0.10.2.dev20260603
libtpu: 0.0.44.dev20260713+nightly
codegen_flags: <defaults>
</compile_context>

<pallas_src>
import functools

import jax
import jax.numpy as jnp
from jax import lax
from jax.experimental import pallas as pl
from jax.experimental.pallas import tpu as pltpu
from jax.experimental.pallas import tpu_sc as plsc

BSZ = 4
SEQ_LEN = 8192
EMBED_DIM = 768

_NC = 2
_NS = 16
_NW = _NC * _NS
_ROWS_PER_W = SEQ_LEN // _NW
_CHUNK = 64
_NCHUNK = _ROWS_PER_W // _CHUNK


def _sc_body(wpe_hbm, out_hbm, stage, sem_in, sem_out):
    wid = lax.axis_index("s") * _NC + lax.axis_index("c")
    base = wid * _ROWS_PER_W

    def in_copy(ci):
        return pltpu.make_async_copy(
            wpe_hbm.at[pl.ds(base + ci * _CHUNK, _CHUNK)],
            stage.at[ci % 2],
            sem_in,
        )

    def out_copies(ci):
        return [
            pltpu.make_async_copy(
                stage.at[ci % 2],
                out_hbm.at[b, pl.ds(base + ci * _CHUNK, _CHUNK)],
                sem_out,
            )
            for b in range(BSZ)
        ]

    in_copy(0).start()
    prev_outs = None
    for ci in range(_NCHUNK):
        in_copy(ci).wait()
        if prev_outs is not None:
            for c in prev_outs:
                c.wait()
        if ci + 1 < _NCHUNK:
            in_copy(ci + 1).start()
        outs = out_copies(ci)
        for c in outs:
            c.start()
        prev_outs = outs
    for c in prev_outs:
        c.wait()


def kernel(tokens, wpe):
    del tokens
    run = functools.partial(
        pl.kernel,
        mesh=plsc.VectorSubcoreMesh(core_axis_name="c", subcore_axis_name="s"),
        out_type=jax.ShapeDtypeStruct((BSZ, SEQ_LEN, EMBED_DIM), jnp.float32),
        scratch_types=[
            pltpu.VMEM((2, _CHUNK, EMBED_DIM), jnp.float32),
            pltpu.SemaphoreType.DMA,
            pltpu.SemaphoreType.DMA,
        ],
    )(_sc_body)
    return run(wpe)

# --- scband reference (transcript-rebuilt; emitter-appended) ---
"""Pipeline reference for scband-positional-embedding-57612691308802 (READ-ONLY COPY).

The authoritative reference and input builder live on the scoring server;
editing this copy changes nothing except your own understanding.
"""

import jax, jax.numpy as jnp
import numpy as np

BLOCK_SIZE = 8192
EMBED_DIM = 768
BSZ = 4
SEQ_LEN = 8192

def setup_inputs(seed: int = 0) -> dict:
    key = jax.random.key(seed)
    k1, k2 = jax.random.split(key)
    tokens = jax.random.randint(k1, (BSZ, SEQ_LEN), 0, BLOCK_SIZE, dtype=jnp.int64 if jax.config.jax_enable_x64 else jnp.int32)
    wpe = jax.random.normal(k2, (BLOCK_SIZE, EMBED_DIM), dtype=jnp.float32)
    return {"tokens": tokens, "wpe": wpe}

def reference(tokens, wpe):
    bsz, seq_len = tokens.shape
    positional_info = jnp.tile(jnp.arange(seq_len), (bsz, 1))  # [bsz, seq_len]
    out = jnp.take(wpe, positional_info, axis=0)  # [bsz, seq_len, embed_dim]
    return out

if __name__ == "__main__":
    import jax
    _d = setup_inputs()
    print(jax.jit(kernel)(*tuple(_d.values())))

</pallas_src>

<mosaic_0001>
#map = affine_map<(d0, d1) -> (0, 0)>
#map1 = affine_map<(d0, d1) -> (0, 0, 0)>
module attributes {stable_mosaic.version = 14 : i64} {
  func.func @_sc_body(%arg0: i32, %arg1: i32, %arg2: memref<8192x768xf32, #tpu.memory_space<hbm>>, %arg3: memref<4x8192x768xf32, #tpu.memory_space<hbm>>, %arg4: memref<2x64x768xf32, #tpu.memory_space<vmem>>, %arg5: memref<!tpu.dma_semaphore, #tpu.memory_space<semaphore_mem>>, %arg6: memref<!tpu.dma_semaphore, #tpu.memory_space<semaphore_mem>>) attributes {dimension_semantics = [#tpu.dimension_semantics<core_parallel>, #tpu.dimension_semantics<subcore_parallel>], iteration_bounds = array<i64: 2, 16>, scalar_prefetch = 0 : i64, scratch_operands = 3 : i64, tpu.core_type = #tpu.core_type<sc_vector_subcore>, window_params = [{transform_indices = #map}, {transform_indices = #map1}]} {
    %mul3A = arith.constant 2 : i32
    %mul3A_0 = arith.muli %arg1, %mul3A : i32
    %add3A = arith.addi %mul3A_0, %arg0 : i32
    %mul3A_1 = arith.constant 256 : i32
    %mul3A_2 = arith.muli %add3A, %mul3A_1 : i32
    %add3A_3 = arith.constant 0 : i32
    %add3A_4 = arith.addi %mul3A_2, %add3A_3 : i32
    %dma_start3A = arith.constant 0 : i32
    %dma_start3A_5 = arith.constant 0 : i32
    %dma_start3A_6 = arith.constant 0 : i32
    %dma_start3A_7 = tpu.memref_slice %arg4[%dma_start3A, %dma_start3A_5, %dma_start3A_6] : memref<2x64x768xf32, #tpu.memory_space<vmem>> -> memref<1x64x768xf32, #tpu.memory_space<vmem>>
    %dma_start3A_8 = tpu.memref_squeeze %dma_start3A_7 : memref<1x64x768xf32, #tpu.memory_space<vmem>> -> memref<64x768xf32, #tpu.memory_space<vmem>>
    %dma_start3A_9 = arith.constant 0 : i32
    %dma_start3A_10 = tpu.memref_slice %arg2[%add3A_4, %dma_start3A_9] : memref<8192x768xf32, #tpu.memory_space<hbm>> -> memref<64x768xf32, #tpu.memory_space<hbm>>
    %dma_start3A_11 = arith.constant 0 : i32
    %dma_start3A_12 = arith.constant 0 : i32
    %dma_start3A_13 = tpu.memref_slice %arg4[%dma_start3A, %dma_start3A_11, %dma_start3A_12] : memref<2x64x768xf32, #tpu.memory_space<vmem>> -> memref<1x64x768xf32, #tpu.memory_space<vmem>>
    %dma_start3A_14 = tpu.memref_squeeze %dma_start3A_13 : memref<1x64x768xf32, #tpu.memory_space<vmem>> -> memref<64x768xf32, #tpu.memory_space<vmem>>
    %dma_start3A_15 = arith.constant 0 : i32
    %dma_start3A_16 = tpu.memref_slice %arg2[%add3A_4, %dma_start3A_15] : memref<8192x768xf32, #tpu.memory_space<hbm>> -> memref<64x768xf32, #tpu.memory_space<hbm>>
    tpu.enqueue_dma source(%dma_start3A_16 : memref<64x768xf32, #tpu.memory_space<hbm>>) target(%dma_start3A_14 : memref<64x768xf32, #tpu.memory_space<vmem>>) target_semaphore(%arg5 : memref<!tpu.dma_semaphore, #tpu.memory_space<semaphore_mem>>)
    %add3A_17 = arith.constant 0 : i32
    %add3A_18 = arith.addi %mul3A_2, %add3A_17 : i32
    %dma_wait3A = arith.constant 0 : i32
    %dma_wait3A_19 = arith.constant 0 : i32
    %dma_wait3A_20 = arith.constant 0 : i32
    %dma_wait3A_21 = tpu.memref_slice %arg4[%dma_wait3A, %dma_wait3A_19, %dma_wait3A_20] : memref<2x64x768xf32, #tpu.memory_space<vmem>> -> memref<1x64x768xf32, #tpu.memory_space<vmem>>
    %dma_wait3A_22 = tpu.memref_squeeze %dma_wait3A_21 : memref<1x64x768xf32, #tpu.memory_space<vmem>> -> memref<64x768xf32, #tpu.memory_space<vmem>>
    %dma_wait3A_23 = arith.constant 0 : i32
    %dma_wait3A_24 = tpu.memref_slice %arg2[%add3A_18, %dma_wait3A_23] : memref<8192x768xf32, #tpu.memory_space<hbm>> -> memref<64x768xf32, #tpu.memory_space<hbm>>
    %dma_wait3A_25 = arith.constant 0 : i32
    %dma_wait3A_26 = arith.constant 0 : i32
    %dma_wait3A_27 = tpu.memref_slice %arg4[%dma_wait3A, %dma_wait3A_25, %dma_wait3A_26] : memref<2x64x768xf32, #tpu.memory_space<vmem>> -> memref<1x64x768xf32, #tpu.memory_space<vmem>>
    %dma_wait3A_28 = tpu.memref_squeeze %dma_wait3A_27 : memref<1x64x768xf32, #tpu.memory_space<vmem>> -> memref<64x768xf32, #tpu.memory_space<vmem>>
    %dma_wait3A_29 = arith.constant 0 : i32
    %dma_wait3A_30 = tpu.memref_slice %arg2[%add3A_18, %dma_wait3A_29] : memref<8192x768xf32, #tpu.memory_space<hbm>> -> memref<64x768xf32, #tpu.memory_space<hbm>>
    tpu.wait_dma2 semaphore(%arg5 : memref<!tpu.dma_semaphore, #tpu.memory_space<semaphore_mem>>) src(%dma_wait3A_30 : memref<64x768xf32, #tpu.memory_space<hbm>>) dst(%dma_wait3A_28 : memref<64x768xf32, #tpu.memory_space<vmem>>)
    %add3A_31 = arith.constant 64 : i32
    %add3A_32 = arith.addi %mul3A_2, %add3A_31 : i32
    %dma_start3A_33 = arith.constant 1 : i32
    %dma_start3A_34 = arith.constant 0 : i32
    %dma_start3A_35 = arith.constant 0 : i32
    %dma_start3A_36 = tpu.memref_slice %arg4[%dma_start3A_33, %dma_start3A_34, %dma_start3A_35] : memref<2x64x768xf32, #tpu.memory_space<vmem>> -> memref<1x64x768xf32, #tpu.memory_space<vmem>>
    %dma_start3A_37 = tpu.memref_squeeze %dma_start3A_36 : memref<1x64x768xf32, #tpu.memory_space<vmem>> -> memref<64x768xf32, #tpu.memory_space<vmem>>
    %dma_start3A_38 = arith.constant 0 : i32
    %dma_start3A_39 = tpu.memref_slice %arg2[%add3A_32, %dma_start3A_38] : memref<8192x768xf32, #tpu.memory_space<hbm>> -> memref<64x768xf32, #tpu.memory_space<hbm>>
    %dma_start3A_40 = arith.constant 0 : i32
    %dma_start3A_41 = arith.constant 0 : i32
    %dma_start3A_42 = tpu.memref_slice %arg4[%dma_start3A_33, %dma_start3A_40, %dma_start3A_41] : memref<2x64x768xf32, #tpu.memory_space<vmem>> -> memref<1x64x768xf32, #tpu.memory_space<vmem>>
    %dma_start3A_43 = tpu.memref_squeeze %dma_start3A_42 : memref<1x64x768xf32, #tpu.memory_space<vmem>> -> memref<64x768xf32, #tpu.memory_space<vmem>>
    %dma_start3A_44 = arith.constant 0 : i32
    %dma_start3A_45 = tpu.memref_slice %arg2[%add3A_32, %dma_start3A_44] : memref<8192x768xf32, #tpu.memory_space<hbm>> -> memref<64x768xf32, #tpu.memory_space<hbm>>
    tpu.enqueue_dma source(%dma_start3A_45 : memref<64x768xf32, #tpu.memory_space<hbm>>) target(%dma_start3A_43 : memref<64x768xf32, #tpu.memory_space<vmem>>) target_semaphore(%arg5 : memref<!tpu.dma_semaphore, #tpu.memory_space<semaphore_mem>>)
    %add3A_46 = arith.constant 0 : i32
    %add3A_47 = arith.addi %mul3A_2, %add3A_46 : i32
    %add3A_48 = arith.constant 0 : i32
    %add3A_49 = arith.addi %mul3A_2, %add3A_48 : i32
    %add3A_50 = arith.constant 0 : i32
    %add3A_51 = arith.addi %mul3A_2, %add3A_50 : i32
    %add3A_52 = arith.constant 0 : i32
    %add3A_53 = arith.addi %mul3A_2, %add3A_52 : i32
    %dma_start3A_54 = arith.constant 0 : i32
    %dma_start3A_55 = arith.constant 0 : i32
    %dma_start3A_56 = arith.constant 0 : i32
    %dma_start3A_57 = arith.constant 0 : i32
    %dma_start3A_58 = tpu.memref_slice %arg4[%dma_start3A_54, %dma_start3A_56, %dma_start3A_57] : memref<2x64x768xf32, #tpu.memory_space<vmem>> -> memref<1x64x768xf32, #tpu.memory_space<vmem>>
    %dma_start3A_59 = tpu.memref_squeeze %dma_start3A_58 : memref<1x64x768xf32, #tpu.memory_space<vmem>> -> memref<64x768xf32, #tpu.memory_space<vmem>>
    %dma_start3A_60 = arith.constant 0 : i32
    %dma_start3A_61 = tpu.memref_slice %arg3[%dma_start3A_55, %add3A_47, %dma_start3A_60] : memref<4x8192x768xf32, #tpu.memory_space<hbm>> -> memref<1x64x768xf32, #tpu.memory_space<hbm>>
    %dma_start3A_62 = tpu.memref_squeeze %dma_start3A_61 : memref<1x64x768xf32, #tpu.memory_space<hbm>> -> memref<64x768xf32, #tpu.memory_space<hbm>>
    %dma_start3A_63 = arith.constant 0 : i32
    %dma_start3A_64 = tpu.memref_slice %arg3[%dma_start3A_55, %add3A_47, %dma_start3A_63] : memref<4x8192x768xf32, #tpu.memory_space<hbm>> -> memref<1x64x768xf32, #tpu.memory_space<hbm>>
    %dma_start3A_65 = tpu.memref_squeeze %dma_start3A_64 : memref<1x64x768xf32, #tpu.memory_space<hbm>> -> memref<64x768xf32, #tpu.memory_space<hbm>>
    %dma_start3A_66 = arith.constant 0 : i32
    %dma_start3A_67 = arith.constant 0 : i32
    %dma_start3A_68 = tpu.memref_slice %arg4[%dma_start3A_54, %dma_start3A_66, %dma_start3A_67] : memref<2x64x768xf32, #tpu.memory_space<vmem>> -> memref<1x64x768xf32, #tpu.memory_space<vmem>>
    %dma_start3A_69 = tpu.memref_squeeze %dma_start3A_68 : memref<1x64x768xf32, #tpu.memory_space<vmem>> -> memref<64x768xf32, #tpu.memory_space<vmem>>
    tpu.enqueue_dma source(%dma_start3A_69 : memref<64x768xf32, #tpu.memory_space<vmem>>) target(%dma_start3A_65 : memref<64x768xf32, #tpu.memory_space<hbm>>) target_semaphore(%arg6 : memref<!tpu.dma_semaphore, #tpu.memory_space<semaphore_mem>>)
    %dma_start3A_70 = arith.constant 0 : i32
    %dma_start3A_71 = arith.constant 1 : i32
    %dma_start3A_72 = arith.constant 0 : i32
    %dma_start3A_73 = arith.constant 0 : i32
    %dma_start3A_74 = tpu.memref_slice %arg4[%dma_start3A_70, %dma_start3A_72, %dma_start3A_73] : memref<2x64x768xf32, #tpu.memory_space<vmem>> -> memref<1x64x768xf32, #tpu.memory_space<vmem>>
    %dma_start3A_75 = tpu.memref_squeeze %dma_start3A_74 : memref<1x64x768xf32, #tpu.memory_space<vmem>> -> memref<64x768xf32, #tpu.memory_space<vmem>>
    %dma_start3A_76 = arith.constant 0 : i32
    %dma_start3A_77 = tpu.memref_slice %arg3[%dma_start3A_71, %add3A_49, %dma_start3A_76] : memref<4x8192x768xf32, #tpu.memory_space<hbm>> -> memref<1x64x768xf32, #tpu.memory_space<hbm>>
    %dma_start3A_78 = tpu.memref_squeeze %dma_start3A_77 : memref<1x64x768xf32, #tpu.memory_space<hbm>> -> memref<64x768xf32, #tpu.memory_space<hbm>>
    %dma_start3A_79 = arith.constant 0 : i32
    %dma_start3A_80 = tpu.memref_slice %arg3[%dma_start3A_71, %add3A_49, %dma_start3A_79] : memref<4x8192x768xf32, #tpu.memory_space<hbm>> -> memref<1x64x768xf32, #tpu.memory_space<hbm>>
    %dma_start3A_81 = tpu.memref_squeeze %dma_start3A_80 : memref<1x64x768xf32, #tpu.memory_space<hbm>> -> memref<64x768xf32, #tpu.memory_space<hbm>>
    %dma_start3A_82 = arith.constant 0 : i32
    %dma_start3A_83 = arith.constant 0 : i32
    %dma_start3A_84 = tpu.memref_slice %arg4[%dma_start3A_70, %dma_start3A_82, %dma_start3A_83] : memref<2x64x768xf32, #tpu.memory_space<vmem>> -> memref<1x64x768xf32, #tpu.memory_space<vmem>>
    %dma_start3A_85 = tpu.memref_squeeze %dma_start3A_84 : memref<1x64x768xf32, #tpu.memory_space<vmem>> -> memref<64x768xf32, #tpu.memory_space<vmem>>
    tpu.enqueue_dma source(%dma_start3A_85 : memref<64x768xf32, #tpu.memory_space<vmem>>) target(%dma_start3A_81 : memref<64x768xf32, #tpu.memory_space<hbm>>) target_semaphore(%arg6 : memref<!tpu.dma_semaphore, #tpu.memory_space<semaphore_mem>>)
    %dma_start3A_86 = arith.constant 0 : i32
    %dma_start3A_87 = arith.constant 2 : i32
    %dma_start3A_88 = arith.constant 0 : i32
    %dma_start3A_89 = arith.constant 0 : i32
    %dma_start3A_90 = tpu.memref_slice %arg4[%dma_start3A_86, %dma_start3A_88, %dma_start3A_89] : memref<2x64x768xf32, #tpu.memory_space<vmem>> -> memref<1x64x768xf32, #tpu.memory_space<vmem>>
    %dma_start3A_91 = tpu.memref_squeeze %dma_start3A_90 : memref<1x64x768xf32, #tpu.memory_space<vmem>> -> memref<64x768xf32, #tpu.memory_space<vmem>>
    %dma_start3A_92 = arith.constant 0 : i32
    %dma_start3A_93 = tpu.memref_slice %arg3[%dma_start3A_87, %add3A_51, %dma_start3A_92] : memref<4x8192x768xf32, #tpu.memory_space<hbm>> -> memref<1x64x768xf32, #tpu.memory_space<hbm>>
    %dma_start3A_94 = tpu.memref_squeeze %dma_start3A_93 : memref<1x64x768xf32, #tpu.memory_space<hbm>> -> memref<64x768xf32, #tpu.memory_space<hbm>>
    %dma_start3A_95 = arith.constant 0 : i32
    %dma_start3A_96 = tpu.memref_slice %arg3[%dma_start3A_87, %add3A_51, %dma_start3A_95] : memref<4x8192x768xf32, #tpu.memory_space<hbm>> -> memref<1x64x768xf32, #tpu.memory_space<hbm>>
    %dma_start3A_97 = tpu.memref_squeeze %dma_start3A_96 : memref<1x64x768xf32, #tpu.memory_space<hbm>> -> memref<64x768xf32, #tpu.memory_space<hbm>>
    %dma_start3A_98 = arith.constant 0 : i32
    %dma_start3A_99 = arith.constant 0 : i32
    %dma_start3A_100 = tpu.memref_slice %arg4[%dma_start3A_86, %dma_start3A_98, %dma_start3A_99] : memref<2x64x768xf32, #tpu.memory_space<vmem>> -> memref<1x64x768xf32, #tpu.memory_space<vmem>>
    %dma_start3A_101 = tpu.memref_squeeze %dma_start3A_100 : memref<1x64x768xf32, #tpu.memory_space<vmem>> -> memref<64x768xf32, #tpu.memory_space<vmem>>
    tpu.enqueue_dma source(%dma_start3A_101 : memref<64x768xf32, #tpu.memory_space<vmem>>) target(%dma_start3A_97 : memref<64x768xf32, #tpu.memory_space<hbm>>) target_semaphore(%arg6 : memref<!tpu.dma_semaphore, #tpu.memory_space<semaphore_mem>>)
    %dma_start3A_102 = arith.constant 0 : i32
    %dma_start3A_103 = arith.constant 3 : i32
    %dma_start3A_104 = arith.constant 0 : i32
    %dma_start3A_105 = arith.constant 0 : i32
    %dma_start3A_106 = tpu.memref_slice %arg4[%dma_start3A_102, %dma_start3A_104, %dma_start3A_105] : memref<2x64x768xf32, #tpu.memory_space<vmem>> -> memref<1x64x768xf32, #tpu.memory_space<vmem>>
    %dma_start3A_107 = tpu.memref_squeeze %dma_start3A_106 : memref<1x64x768xf32, #tpu.memory_space<vmem>> -> memref<64x768xf32, #tpu.memory_space<vmem>>
    %dma_start3A_108 = arith.constant 0 : i32
    %dma_start3A_109 = tpu.memref_slice %arg3[%dma_start3A_103, %add3A_53, %dma_start3A_108] : memref<4x8192x768xf32, #tpu.memory_space<hbm>> -> memref<1x64x768xf32, #tpu.memory_space<hbm>>
    %dma_start3A_110 = tpu.memref_squeeze %dma_start3A_109 : memref<1x64x768xf32, #tpu.memory_space<hbm>> -> memref<64x768xf32, #tpu.memory_space<hbm>>
    %dma_start3A_111 = arith.constant 0 : i32
    %dma_start3A_112 = tpu.memref_slice %arg3[%dma_start3A_103, %add3A_53, %dma_start3A_111] : memref<4x8192x768xf32, #tpu.memory_space<hbm>> -> memref<1x64x768xf32, #tpu.memory_space<hbm>>
    %dma_start3A_113 = tpu.memref_squeeze %dma_start3A_112 : memref<1x64x768xf32, #tpu.memory_space<hbm>> -> memref<64x768xf32, #tpu.memory_space<hbm>>
    %dma_start3A_114 = arith.constant 0 : i32
    %dma_start3A_115 = arith.constant 0 : i32
    %dma_start3A_116 = tpu.memref_slice %arg4[%dma_start3A_102, %dma_start3A_114, %dma_start3A_115] : memref<2x64x768xf32, #tpu.memory_space<vmem>> -> memref<1x64x768xf32, #tpu.memory_space<vmem>>
    %dma_start3A_117 = tpu.memref_squeeze %dma_start3A_116 : memref<1x64x768xf32, #tpu.memory_space<vmem>> -> memref<64x768xf32, #tpu.memory_space<vmem>>
    tpu.enqueue_dma source(%dma_start3A_117 : memref<64x768xf32, #tpu.memory_space<vmem>>) target(%dma_start3A_113 : memref<64x768xf32, #tpu.memory_space<hbm>>) target_semaphore(%arg6 : memref<!tpu.dma_semaphore, #tpu.memory_space<semaphore_mem>>)
    %add3A_118 = arith.constant 64 : i32
    %add3A_119 = arith.addi %mul3A_2, %add3A_118 : i32
    %dma_wait3A_120 = arith.constant 1 : i32
    %dma_wait3A_121 = arith.constant 0 : i32
    %dma_wait3A_122 = arith.constant 0 : i32
    %dma_wait3A_123 = tpu.memref_slice %arg4[%dma_wait3A_120, %dma_wait3A_121, %dma_wait3A_122] : memref<2x64x768xf32, #tpu.memory_space<vmem>> -> memref<1x64x768xf32, #tpu.memory_space<vmem>>
    %dma_wait3A_124 = tpu.memref_squeeze %dma_wait3A_123 : memref<1x64x768xf32, #tpu.memory_space<vmem>> -> memref<64x768xf32, #tpu.memory_space<vmem>>
    %dma_wait3A_125 = arith.constant 0 : i32
    %dma_wait3A_126 = tpu.memref_slice %arg2[%add3A_119, %dma_wait3A_125] : memref<8192x768xf32, #tpu.memory_space<hbm>> -> memref<64x768xf32, #tpu.memory_space<hbm>>
    %dma_wait3A_127 = arith.constant 0 : i32
    %dma_wait3A_128 = arith.constant 0 : i32
    %dma_wait3A_129 = tpu.memref_slice %arg4[%dma_wait3A_120, %dma_wait3A_127, %dma_wait3A_128] : memref<2x64x768xf32, #tpu.memory_space<vmem>> -> memref<1x64x768xf32, #tpu.memory_space<vmem>>
    %dma_wait3A_130 = tpu.memref_squeeze %dma_wait3A_129 : memref<1x64x768xf32, #tpu.memory_space<vmem>> -> memref<64x768xf32, #tpu.memory_space<vmem>>
    %dma_wait3A_131 = arith.constant 0 : i32
    %dma_wait3A_132 = tpu.memref_slice %arg2[%add3A_119, %dma_wait3A_131] : memref<8192x768xf32, #tpu.memory_space<hbm>> -> memref<64x768xf32, #tpu.memory_space<hbm>>
    tpu.wait_dma2 semaphore(%arg5 : memref<!tpu.dma_semaphore, #tpu.memory_space<semaphore_mem>>) src(%dma_wait3A_132 : memref<64x768xf32, #tpu.memory_space<hbm>>) dst(%dma_wait3A_130 : memref<64x768xf32, #tpu.memory_space<vmem>>)
    %dma_wait3A_133 = arith.constant 0 : i32
    %dma_wait3A_134 = arith.constant 0 : i32
    %dma_wait3A_135 = arith.constant 0 : i32
    %dma_wait3A_136 = arith.constant 0 : i32
    %dma_wait3A_137 = tpu.memref_slice %arg4[%dma_wait3A_133, %dma_wait3A_135, %dma_wait3A_136] : memref<2x64x768xf32, #tpu.memory_space<vmem>> -> memref<1x64x768xf32, #tpu.memory_space<vmem>>
    %dma_wait3A_138 = tpu.memref_squeeze %dma_wait3A_137 : memref<1x64x768xf32, #tpu.memory_space<vmem>> -> memref<64x768xf32, #tpu.memory_space<vmem>>
    %dma_wait3A_139 = arith.constant 0 : i32
    %dma_wait3A_140 = tpu.memref_slice %arg3[%dma_wait3A_134, %add3A_47, %dma_wait3A_139] : memref<4x8192x768xf32, #tpu.memory_space<hbm>> -> memref<1x64x768xf32, #tpu.memory_space<hbm>>
    %dma_wait3A_141 = tpu.memref_squeeze %dma_wait3A_140 : memref<1x64x768xf32, #tpu.memory_space<hbm>> -> memref<64x768xf32, #tpu.memory_space<hbm>>
    %dma_wait3A_142 = arith.constant 0 : i32
    %dma_wait3A_143 = tpu.memref_slice %arg3[%dma_wait3A_134, %add3A_47, %dma_wait3A_142] : memref<4x8192x768xf32, #tpu.memory_space<hbm>> -> memref<1x64x768xf32, #tpu.memory_space<hbm>>
    %dma_wait3A_144 = tpu.memref_squeeze %dma_wait3A_143 : memref<1x64x768xf32, #tpu.memory_space<hbm>> -> memref<64x768xf32, #tpu.memory_space<hbm>>
    %dma_wait3A_145 = arith.constant 0 : i32
    %dma_wait3A_146 = arith.constant 0 : i32
    %dma_wait3A_147 = tpu.memref_slice %arg4[%dma_wait3A_133, %dma_wait3A_145, %dma_wait3A_146] : memref<2x64x768xf32, #tpu.memory_space<vmem>> -> memref<1x64x768xf32, #tpu.memory_space<vmem>>
    %dma_wait3A_148 = tpu.memref_squeeze %dma_wait3A_147 : memref<1x64x768xf32, #tpu.memory_space<vmem>> -> memref<64x768xf32, #tpu.memory_space<vmem>>
    tpu.wait_dma2 semaphore(%arg6 : memref<!tpu.dma_semaphore, #tpu.memory_space<semaphore_mem>>) src(%dma_wait3A_148 : memref<64x768xf32, #tpu.memory_space<vmem>>) dst(%dma_wait3A_144 : memref<64x768xf32, #tpu.memory_space<hbm>>)
    %dma_wait3A_149 = arith.constant 0 : i32
    %dma_wait3A_150 = arith.constant 1 : i32
    %dma_wait3A_151 = arith.constant 0 : i32
    %dma_wait3A_152 = arith.constant 0 : i32
    %dma_wait3A_153 = tpu.memref_slice %arg4[%dma_wait3A_149, %dma_wait3A_151, %dma_wait3A_152] : memref<2x64x768xf32, #tpu.memory_space<vmem>> -> memref<1x64x768xf32, #tpu.memory_space<vmem>>
    %dma_wait3A_154 = tpu.memref_squeeze %dma_wait3A_153 : memref<1x64x768xf32, #tpu.memory_space<vmem>> -> memref<64x768xf32, #tpu.memory_space<vmem>>
    %dma_wait3A_155 = arith.constant 0 : i32
    %dma_wait3A_156 = tpu.memref_slice %arg3[%dma_wait3A_150, %add3A_49, %dma_wait3A_155] : memref<4x8192x768xf32, #tpu.memory_space<hbm>> -> memref<1x64x768xf32, #tpu.memory_space<hbm>>
    %dma_wait3A_157 = tpu.memref_squeeze %dma_wait3A_156 : memref<1x64x768xf32, #tpu.memory_space<hbm>> -> memref<64x768xf32, #tpu.memory_space<hbm>>
    %dma_wait3A_158 = arith.constant 0 : i32
    %dma_wait3A_159 = tpu.memref_slice %arg3[%dma_wait3A_150, %add3A_49, %dma_wait3A_158] : memref<4x8192x768xf32, #tpu.memory_space<hbm>> -> memref<1x64x768xf32, #tpu.memory_space<hbm>>
    %dma_wait3A_160 = tpu.memref_squeeze %dma_wait3A_159 : memref<1x64x768xf32, #tpu.memory_space<hbm>> -> memref<64x768xf32, #tpu.memory_space<hbm>>
    %dma_wait3A_161 = arith.constant 0 : i32
    %dma_wait3A_162 = arith.constant 0 : i32
    %dma_wait3A_163 = tpu.memref_slice %arg4[%dma_wait3A_149, %dma_wait3A_161, %dma_wait3A_162] : memref<2x64x768xf32, #tpu.memory_space<vmem>> -> memref<1x64x768xf32, #tpu.memory_space<vmem>>
    %dma_wait3A_164 = tpu.memref_squeeze %dma_wait3A_163 : memref<1x64x768xf32, #tpu.memory_space<vmem>> -> memref<64x768xf32, #tpu.memory_space<vmem>>
    tpu.wait_dma2 semaphore(%arg6 : memref<!tpu.dma_semaphore, #tpu.memory_space<semaphore_mem>>) src(%dma_wait3A_164 : memref<64x768xf32, #tpu.memory_space<vmem>>) dst(%dma_wait3A_160 : memref<64x768xf32, #tpu.memory_space<hbm>>)
    %dma_wait3A_165 = arith.constant 0 : i32
    %dma_wait3A_166 = arith.constant 2 : i32
    %dma_wait3A_167 = arith.constant 0 : i32
    %dma_wait3A_168 = arith.constant 0 : i32
    %dma_wait3A_169 = tpu.memref_slice %arg4[%dma_wait3A_165, %dma_wait3A_167, %dma_wait3A_168] : memref<2x64x768xf32, #tpu.memory_space<vmem>> -> memref<1x64x768xf32, #tpu.memory_space<vmem>>
    %dma_wait3A_170 = tpu.memref_squeeze %dma_wait3A_169 : memref<1x64x768xf32, #tpu.memory_space<vmem>> -> memref<64x768xf32, #tpu.memory_space<vmem>>
    %dma_wait3A_171 = arith.constant 0 : i32
    %dma_wait3A_172 = tpu.memref_slice %arg3[%dma_wait3A_166, %add3A_51, %dma_wait3A_171] : memref<4x8192x768xf32, #tpu.memory_space<hbm>> -> memref<1x64x768xf32, #tpu.memory_space<hbm>>
    %dma_wait3A_173 = tpu.memref_squeeze %dma_wait3A_172 : memref<1x64x768xf32, #tpu.memory_space<hbm>> -> memref<64x768xf32, #tpu.memory_space<hbm>>
    %dma_wait3A_174 = arith.constant 0 : i32
    %dma_wait3A_175 = tpu.memref_slice %arg3[%dma_wait3A_166, %add3A_51, %dma_wait3A_174] : memref<4x8192x768xf32, #tpu.memory_space<hbm>> -> memref<1x64x768xf32, #tpu.memory_space<hbm>>
    %dma_wait3A_176 = tpu.memref_squeeze %dma_wait3A_175 : memref<1x64x768xf32, #tpu.memory_space<hbm>> -> memref<64x768xf32, #tpu.memory_space<hbm>>
    %dma_wait3A_177 = arith.constant 0 : i32
    %dma_wait3A_178 = arith.constant 0 : i32
    %dma_wait3A_179 = tpu.memref_slice %arg4[%dma_wait3A_165, %dma_wait3A_177, %dma_wait3A_178] : memref<2x64x768xf32, #tpu.memory_space<vmem>> -> memref<1x64x768xf32, #tpu.memory_space<vmem>>
    %dma_wait3A_180 = tpu.memref_squeeze %dma_wait3A_179 : memref<1x64x768xf32, #tpu.memory_space<vmem>> -> memref<64x768xf32, #tpu.memory_space<vmem>>
    tpu.wait_dma2 semaphore(%arg6 : memref<!tpu.dma_semaphore, #tpu.memory_space<semaphore_mem>>) src(%dma_wait3A_180 : memref<64x768xf32, #tpu.memory_space<vmem>>) dst(%dma_wait3A_176 : memref<64x768xf32, #tpu.memory_space<hbm>>)
    %dma_wait3A_181 = arith.constant 0 : i32
    %dma_wait3A_182 = arith.constant 3 : i32
    %dma_wait3A_183 = arith.constant 0 : i32
    %dma_wait3A_184 = arith.constant 0 : i32
    %dma_wait3A_185 = tpu.memref_slice %arg4[%dma_wait3A_181, %dma_wait3A_183, %dma_wait3A_184] : memref<2x64x768xf32, #tpu.memory_space<vmem>> -> memref<1x64x768xf32, #tpu.memory_space<vmem>>
    %dma_wait3A_186 = tpu.memref_squeeze %dma_wait3A_185 : memref<1x64x768xf32, #tpu.memory_space<vmem>> -> memref<64x768xf32, #tpu.memory_space<vmem>>
    %dma_wait3A_187 = arith.constant 0 : i32
    %dma_wait3A_188 = tpu.memref_slice %arg3[%dma_wait3A_182, %add3A_53, %dma_wait3A_187] : memref<4x8192x768xf32, #tpu.memory_space<hbm>> -> memref<1x64x768xf32, #tpu.memory_space<hbm>>
    %dma_wait3A_189 = tpu.memref_squeeze %dma_wait3A_188 : memref<1x64x768xf32, #tpu.memory_space<hbm>> -> memref<64x768xf32, #tpu.memory_space<hbm>>
    %dma_wait3A_190 = arith.constant 0 : i32
    %dma_wait3A_191 = tpu.memref_slice %arg3[%dma_wait3A_182, %add3A_53, %dma_wait3A_190] : memref<4x8192x768xf32, #tpu.memory_space<hbm>> -> memref<1x64x768xf32, #tpu.memory_space<hbm>>
    %dma_wait3A_192 = tpu.memref_squeeze %dma_wait3A_191 : memref<1x64x768xf32, #tpu.memory_space<hbm>> -> memref<64x768xf32, #tpu.memory_space<hbm>>
    %dma_wait3A_193 = arith.constant 0 : i32
    %dma_wait3A_194 = arith.constant 0 : i32
    %dma_wait3A_195 = tpu.memref_slice %arg4[%dma_wait3A_181, %dma_wait3A_193, %dma_wait3A_194] : memref<2x64x768xf32, #tpu.memory_space<vmem>> -> memref<1x64x768xf32, #tpu.memory_space<vmem>>
    %dma_wait3A_196 = tpu.memref_squeeze %dma_wait3A_195 : memref<1x64x768xf32, #tpu.memory_space<vmem>> -> memref<64x768xf32, #tpu.memory_space<vmem>>
    tpu.wait_dma2 semaphore(%arg6 : memref<!tpu.dma_semaphore, #tpu.memory_space<semaphore_mem>>) src(%dma_wait3A_196 : memref<64x768xf32, #tpu.memory_space<vmem>>) dst(%dma_wait3A_192 : memref<64x768xf32, #tpu.memory_space<hbm>>)
    %add3A_197 = arith.constant 128 : i32
    %add3A_198 = arith.addi %mul3A_2, %add3A_197 : i32
    %dma_start3A_199 = arith.constant 0 : i32
    %dma_start3A_200 = arith.constant 0 : i32
    %dma_start3A_201 = arith.constant 0 : i32
    %dma_start3A_202 = tpu.memref_slice %arg4[%dma_start3A_199, %dma_start3A_200, %dma_start3A_201] : memref<2x64x768xf32, #tpu.memory_space<vmem>> -> memref<1x64x768xf32, #tpu.memory_space<vmem>>
    %dma_start3A_203 = tpu.memref_squeeze %dma_start3A_202 : memref<1x64x768xf32, #tpu.memory_space<vmem>> -> memref<64x768xf32, #tpu.memory_space<vmem>>
    %dma_start3A_204 = arith.constant 0 : i32
    %dma_start3A_205 = tpu.memref_slice %arg2[%add3A_198, %dma_start3A_204] : memref<8192x768xf32, #tpu.memory_space<hbm>> -> memref<64x768xf32, #tpu.memory_space<hbm>>
    %dma_start3A_206 = arith.constant 0 : i32
    %dma_start3A_207 = arith.constant 0 : i32
    %dma_start3A_208 = tpu.memref_slice %arg4[%dma_start3A_199, %dma_start3A_206, %dma_start3A_207] : memref<2x64x768xf32, #tpu.memory_space<vmem>> -> memref<1x64x768xf32, #tpu.memory_space<vmem>>
    %dma_start3A_209 = tpu.memref_squeeze %dma_start3A_208 : memref<1x64x768xf32, #tpu.memory_space<vmem>> -> memref<64x768xf32, #tpu.memory_space<vmem>>
    %dma_start3A_210 = arith.constant 0 : i32
    %dma_start3A_211 = tpu.memref_slice %arg2[%add3A_198, %dma_start3A_210] : memref<8192x768xf32, #tpu.memory_space<hbm>> -> memref<64x768xf32, #tpu.memory_space<hbm>>
    tpu.enqueue_dma source(%dma_start3A_211 : memref<64x768xf32, #tpu.memory_space<hbm>>) target(%dma_start3A_209 : memref<64x768xf32, #tpu.memory_space<vmem>>) target_semaphore(%arg5 : memref<!tpu.dma_semaphore, #tpu.memory_space<semaphore_mem>>)
    %add3A_212 = arith.constant 64 : i32
    %add3A_213 = arith.addi %mul3A_2, %add3A_212 : i32
    %add3A_214 = arith.constant 64 : i32
    %add3A_215 = arith.addi %mul3A_2, %add3A_214 : i32
    %add3A_216 = arith.constant 64 : i32
    %add3A_217 = arith.addi %mul3A_2, %add3A_216 : i32
    %add3A_218 = arith.constant 64 : i32
    %add3A_219 = arith.addi %mul3A_2, %add3A_218 : i32
    %dma_start3A_220 = arith.constant 1 : i32
    %dma_start3A_221 = arith.constant 0 : i32
    %dma_start3A_222 = arith.constant 0 : i32
    %dma_start3A_223 = arith.constant 0 : i32
    %dma_start3A_224 = tpu.memref_slice %arg4[%dma_start3A_220, %dma_start3A_222, %dma_start3A_223] : memref<2x64x768xf32, #tpu.memory_space<vmem>> -> memref<1x64x768xf32, #tpu.memory_space<vmem>>
    %dma_start3A_225 = tpu.memref_squeeze %dma_start3A_224 : memref<1x64x768xf32, #tpu.memory_space<vmem>> -> memref<64x768xf32, #tpu.memory_space<vmem>>
    %dma_start3A_226 = arith.constant 0 : i32
    %dma_start3A_227 = tpu.memref_slice %arg3[%dma_start3A_221, %add3A_213, %dma_start3A_226] : memref<4x8192x768xf32, #tpu.memory_space<hbm>> -> memref<1x64x768xf32, #tpu.memory_space<hbm>>
    %dma_start3A_228 = tpu.memref_squeeze %dma_start3A_227 : memref<1x64x768xf32, #tpu.memory_space<hbm>> -> memref<64x768xf32, #tpu.memory_space<hbm>>
    %dma_start3A_229 = arith.constant 0 : i32
    %dma_start3A_230 = tpu.memref_slice %arg3[%dma_start3A_221, %add3A_213, %dma_start3A_229] : memref<4x8192x768xf32, #tpu.memory_space<hbm>> -> memref<1x64x768xf32, #tpu.memory_space<hbm>>
    %dma_start3A_231 = tpu.memref_squeeze %dma_start3A_230 : memref<1x64x768xf32, #tpu.memory_space<hbm>> -> memref<64x768xf32, #tpu.memory_space<hbm>>
    %dma_start3A_232 = arith.constant 0 : i32
    %dma_start3A_233 = arith.constant 0 : i32
    %dma_start3A_234 = tpu.memref_slice %arg4[%dma_start3A_220, %dma_start3A_232, %dma_start3A_233] : memref<2x64x768xf32, #tpu.memory_space<vmem>> -> memref<1x64x768xf32, #tpu.memory_space<vmem>>
    %dma_start3A_235 = tpu.memref_squeeze %dma_start3A_234 : memref<1x64x768xf32, #tpu.memory_space<vmem>> -> memref<64x768xf32, #tpu.memory_space<vmem>>
    tpu.enqueue_dma source(%dma_start3A_235 : memref<64x768xf32, #tpu.memory_space<vmem>>) target(%dma_start3A_231 : memref<64x768xf32, #tpu.memory_space<hbm>>) target_semaphore(%arg6 : memref<!tpu.dma_semaphore, #tpu.memory_space<semaphore_mem>>)
    %dma_start3A_236 = arith.constant 1 : i32
    %dma_start3A_237 = arith.constant 1 : i32
    %dma_start3A_238 = arith.constant 0 : i32
    %dma_start3A_239 = arith.constant 0 : i32
    %dma_start3A_240 = tpu.memref_slice %arg4[%dma_start3A_236, %dma_start3A_238, %dma_start3A_239] : memref<2x64x768xf32, #tpu.memory_space<vmem>> -> memref<1x64x768xf32, #tpu.memory_space<vmem>>
    %dma_start3A_241 = tpu.memref_squeeze %dma_start3A_240 : memref<1x64x768xf32, #tpu.memory_space<vmem>> -> memref<64x768xf32, #tpu.memory_space<vmem>>
    %dma_start3A_242 = arith.constant 0 : i32
    %dma_start3A_243 = tpu.memref_slice %arg3[%dma_start3A_237, %add3A_215, %dma_start3A_242] : memref<4x8192x768xf32, #tpu.memory_space<hbm>> -> memref<1x64x768xf32, #tpu.memory_space<hbm>>
    %dma_start3A_244 = tpu.memref_squeeze %dma_start3A_243 : memref<1x64x768xf32, #tpu.memory_space<hbm>> -> memref<64x768xf32, #tpu.memory_space<hbm>>
    %dma_start3A_245 = arith.constant 0 : i32
    %dma_start3A_246 = tpu.memref_slice %arg3[%dma_start3A_237, %add3A_215, %dma_start3A_245] : memref<4x8192x768xf32, #tpu.memory_space<hbm>> -> memref<1x64x768xf32, #tpu.memory_space<hbm>>
    %dma_start3A_247 = tpu.memref_squeeze %dma_start3A_246 : memref<1x64x768xf32, #tpu.memory_space<hbm>> -> memref<64x768xf32, #tpu.memory_space<hbm>>
    %dma_start3A_248 = arith.constant 0 : i32
    %dma_start3A_249 = arith.constant 0 : i32
    %dma_start3A_250 = tpu.memref_slice %arg4[%dma_start3A_236, %dma_start3A_248, %dma_start3A_249] : memref<2x64x768xf32, #tpu.memory_space<vmem>> -> memref<1x64x768xf32, #tpu.memory_space<vmem>>
    %dma_start3A_251 = tpu.memref_squeeze %dma_start3A_250 : memref<1x64x768xf32, #tpu.memory_space<vmem>> -> memref<64x768xf32, #tpu.memory_space<vmem>>
    tpu.enqueue_dma source(%dma_start3A_251 : memref<64x768xf32, #tpu.memory_space<vmem>>) target(%dma_start3A_247 : memref<64x768xf32, #tpu.memory_space<hbm>>) target_semaphore(%arg6 : memref<!tpu.dma_semaphore, #tpu.memory_space<semaphore_mem>>)
    %dma_start3A_252 = arith.constant 1 : i32
    %dma_start3A_253 = arith.constant 2 : i32
    %dma_start3A_254 = arith.constant 0 : i32
    %dma_start3A_255 = arith.constant 0 : i32
    %dma_start3A_256 = tpu.memref_slice %arg4[%dma_start3A_252, %dma_start3A_254, %dma_start3A_255] : memref<2x64x768xf32, #tpu.memory_space<vmem>> -> memref<1x64x768xf32, #tpu.memory_space<vmem>>
    %dma_start3A_257 = tpu.memref_squeeze %dma_start3A_256 : memref<1x64x768xf32, #tpu.memory_space<vmem>> -> memref<64x768xf32, #tpu.memory_space<vmem>>
    %dma_start3A_258 = arith.constant 0 : i32
    %dma_start3A_259 = tpu.memref_slice %arg3[%dma_start3A_253, %add3A_217, %dma_start3A_258] : memref<4x8192x768xf32, #tpu.memory_space<hbm>> -> memref<1x64x768xf32, #tpu.memory_space<hbm>>
    %dma_start3A_260 = tpu.memref_squeeze %dma_start3A_259 : memref<1x64x768xf32, #tpu.memory_space<hbm>> -> memref<64x768xf32, #tpu.memory_space<hbm>>
    %dma_start3A_261 = arith.constant 0 : i32
    %dma_start3A_262 = tpu.memref_slice %arg3[%dma_start3A_253, %add3A_217, %dma_start3A_261] : memref<4x8192x768xf32, #tpu.memory_space<hbm>> -> memref<1x64x768xf32, #tpu.memory_space<hbm>>
    %dma_start3A_263 = tpu.memref_squeeze %dma_start3A_262 : memref<1x64x768xf32, #tpu.memory_space<hbm>> -> memref<64x768xf32, #tpu.memory_space<hbm>>
    %dma_start3A_264 = arith.constant 0 : i32
    %dma_start3A_265 = arith.constant 0 : i32
    %dma_start3A_266 = tpu.memref_slice %arg4[%dma_start3A_252, %dma_start3A_264, %dma_start3A_265] : memref<2x64x768xf32, #tpu.memory_space<vmem>> -> memref<1x64x768xf32, #tpu.memory_space<vmem>>
    %dma_start3A_267 = tpu.memref_squeeze %dma_start3A_266 : memref<1x64x768xf32, #tpu.memory_space<vmem>> -> memref<64x768xf32, #tpu.memory_space<vmem>>
    tpu.enqueue_dma source(%dma_start3A_267 : memref<64x768xf32, #tpu.memory_space<vmem>>) target(%dma_start3A_263 : memref<64x768xf32, #tpu.memory_space<hbm>>) target_semaphore(%arg6 : memref<!tpu.dma_semaphore, #tpu.memory_space<semaphore_mem>>)
    %dma_start3A_268 = arith.constant 1 : i32
    %dma_start3A_269 = arith.constant 3 : i32
    %dma_start3A_270 = arith.constant 0 : i32
    %dma_start3A_271 = arith.constant 0 : i32
    %dma_start3A_272 = tpu.memref_slice %arg4[%dma_start3A_268, %dma_start3A_270, %dma_start3A_271] : memref<2x64x768xf32, #tpu.memory_space<vmem>> -> memref<1x64x768xf32, #tpu.memory_space<vmem>>
    %dma_start3A_273 = tpu.memref_squeeze %dma_start3A_272 : memref<1x64x768xf32, #tpu.memory_space<vmem>> -> memref<64x768xf32, #tpu.memory_space<vmem>>
    %dma_start3A_274 = arith.constant 0 : i32
    %dma_start3A_275 = tpu.memref_slice %arg3[%dma_start3A_269, %add3A_219, %dma_start3A_274] : memref<4x8192x768xf32, #tpu.memory_space<hbm>> -> memref<1x64x768xf32, #tpu.memory_space<hbm>>
    %dma_start3A_276 = tpu.memref_squeeze %dma_start3A_275 : memref<1x64x768xf32, #tpu.memory_space<hbm>> -> memref<64x768xf32, #tpu.memory_space<hbm>>
    %dma_start3A_277 = arith.constant 0 : i32
    %dma_start3A_278 = tpu.memref_slice %arg3[%dma_start3A_269, %add3A_219, %dma_start3A_277] : memref<4x8192x768xf32, #tpu.memory_space<hbm>> -> memref<1x64x768xf32, #tpu.memory_space<hbm>>
    %dma_start3A_279 = tpu.memref_squeeze %dma_start3A_278 : memref<1x64x768xf32, #tpu.memory_space<hbm>> -> memref<64x768xf32, #tpu.memory_space<hbm>>
    %dma_start3A_280 = arith.constant 0 : i32
    %dma_start3A_281 = arith.constant 0 : i32
    %dma_start3A_282 = tpu.memref_slice %arg4[%dma_start3A_268, %dma_start3A_280, %dma_start3A_281] : memref<2x64x768xf32, #tpu.memory_space<vmem>> -> memref<1x64x768xf32, #tpu.memory_space<vmem>>
    %dma_start3A_283 = tpu.memref_squeeze %dma_start3A_282 : memref<1x64x768xf32, #tpu.memory_space<vmem>> -> memref<64x768xf32, #tpu.memory_space<vmem>>
    tpu.enqueue_dma source(%dma_start3A_283 : memref<64x768xf32, #tpu.memory_space<vmem>>) target(%dma_start3A_279 : memref<64x768xf32, #tpu.memory_space<hbm>>) target_semaphore(%arg6 : memref<!tpu.dma_semaphore, #tpu.memory_space<semaphore_mem>>)
    %add3A_284 = arith.constant 128 : i32
    %add3A_285 = arith.addi %mul3A_2, %add3A_284 : i32
    %dma_wait3A_286 = arith.constant 0 : i32
    %dma_wait3A_287 = arith.constant 0 : i32
    %dma_wait3A_288 = arith.constant 0 : i32
    %dma_wait3A_289 = tpu.memref_slice %arg4[%dma_wait3A_286, %dma_wait3A_287, %dma_wait3A_288] : memref<2x64x768xf32, #tpu.memory_space<vmem>> -> memref<1x64x768xf32, #tpu.memory_space<vmem>>
    %dma_wait3A_290 = tpu.memref_squeeze %dma_wait3A_289 : memref<1x64x768xf32, #tpu.memory_space<vmem>> -> memref<64x768xf32, #tpu.memory_space<vmem>>
    %dma_wait3A_291 = arith.constant 0 : i32
    %dma_wait3A_292 = tpu.memref_slice %arg2[%add3A_285, %dma_wait3A_291] : memref<8192x768xf32, #tpu.memory_space<hbm>> -> memref<64x768xf32, #tpu.memory_space<hbm>>
    %dma_wait3A_293 = arith.constant 0 : i32
    %dma_wait3A_294 = arith.constant 0 : i32
    %dma_wait3A_295 = tpu.memref_slice %arg4[%dma_wait3A_286, %dma_wait3A_293, %dma_wait3A_294] : memref<2x64x768xf32, #tpu.memory_space<vmem>> -> memref<1x64x768xf32, #tpu.memory_space<vmem>>
    %dma_wait3A_296 = tpu.memref_squeeze %dma_wait3A_295 : memref<1x64x768xf32, #tpu.memory_space<vmem>> -> memref<64x768xf32, #tpu.memory_space<vmem>>
    %dma_wait3A_297 = arith.constant 0 : i32
    %dma_wait3A_298 = tpu.memref_slice %arg2[%add3A_285, %dma_wait3A_297] : memref<8192x768xf32, #tpu.memory_space<hbm>> -> memref<64x768xf32, #tpu.memory_space<hbm>>
    tpu.wait_dma2 semaphore(%arg5 : memref<!tpu.dma_semaphore, #tpu.memory_space<semaphore_mem>>) src(%dma_wait3A_298 : memref<64x768xf32, #tpu.memory_space<hbm>>) dst(%dma_wait3A_296 : memref<64x768xf32, #tpu.memory_space<vmem>>)
    %dma_wait3A_299 = arith.constant 1 : i32
    %dma_wait3A_300 = arith.constant 0 : i32
    %dma_wait3A_301 = arith.constant 0 : i32
    %dma_wait3A_302 = arith.constant 0 : i32
    %dma_wait3A_303 = tpu.memref_slice %arg4[%dma_wait3A_299, %dma_wait3A_301, %dma_wait3A_302] : memref<2x64x768xf32, #tpu.memory_space<vmem>> -> memref<1x64x768xf32, #tpu.memory_space<vmem>>
    %dma_wait3A_304 = tpu.memref_squeeze %dma_wait3A_303 : memref<1x64x768xf32, #tpu.memory_space<vmem>> -> memref<64x768xf32, #tpu.memory_space<vmem>>
    %dma_wait3A_305 = arith.constant 0 : i32
    %dma_wait3A_306 = tpu.memref_slice %arg3[%dma_wait3A_300, %add3A_213, %dma_wait3A_305] : memref<4x8192x768xf32, #tpu.memory_space<hbm>> -> memref<1x64x768xf32, #tpu.memory_space<hbm>>
    %dma_wait3A_307 = tpu.memref_squeeze %dma_wait3A_306 : memref<1x64x768xf32, #tpu.memory_space<hbm>> -> memref<64x768xf32, #tpu.memory_space<hbm>>
    %dma_wait3A_308 = arith.constant 0 : i32
    %dma_wait3A_309 = tpu.memref_slice %arg3[%dma_wait3A_300, %add3A_213, %dma_wait3A_308] : memref<4x8192x768xf32, #tpu.memory_space<hbm>> -> memref<1x64x768xf32, #tpu.memory_space<hbm>>
    %dma_wait3A_310 = tpu.memref_squeeze %dma_wait3A_309 : memref<1x64x768xf32, #tpu.memory_space<hbm>> -> memref<64x768xf32, #tpu.memory_space<hbm>>
    %dma_wait3A_311 = arith.constant 0 : i32
    %dma_wait3A_312 = arith.constant 0 : i32
    %dma_wait3A_313 = tpu.memref_slice %arg4[%dma_wait3A_299, %dma_wait3A_311, %dma_wait3A_312] : memref<2x64x768xf32, #tpu.memory_space<vmem>> -> memref<1x64x768xf32, #tpu.memory_space<vmem>>
    %dma_wait3A_314 = tpu.memref_squeeze %dma_wait3A_313 : memref<1x64x768xf32, #tpu.memory_space<vmem>> -> memref<64x768xf32, #tpu.memory_space<vmem>>
    tpu.wait_dma2 semaphore(%arg6 : memref<!tpu.dma_semaphore, #tpu.memory_space<semaphore_mem>>) src(%dma_wait3A_314 : memref<64x768xf32, #tpu.memory_space<vmem>>) dst(%dma_wait3A_310 : memref<64x768xf32, #tpu.memory_space<hbm>>)
    %dma_wait3A_315 = arith.constant 1 : i32
    %dma_wait3A_316 = arith.constant 1 : i32
    %dma_wait3A_317 = arith.constant 0 : i32
    %dma_wait3A_318 = arith.constant 0 : i32
    %dma_wait3A_319 = tpu.memref_slice %arg4[%dma_wait3A_315, %dma_wait3A_317, %dma_wait3A_318] : memref<2x64x768xf32, #tpu.memory_space<vmem>> -> memref<1x64x768xf32, #tpu.memory_space<vmem>>
    %dma_wait3A_320 = tpu.memref_squeeze %dma_wait3A_319 : memref<1x64x768xf32, #tpu.memory_space<vmem>> -> memref<64x768xf32, #tpu.memory_space<vmem>>
    %dma_wait3A_321 = arith.constant 0 : i32
    %dma_wait3A_322 = tpu.memref_slice %arg3[%dma_wait3A_316, %add3A_215, %dma_wait3A_321] : memref<4x8192x768xf32, #tpu.memory_space<hbm>> -> memref<1x64x768xf32, #tpu.memory_space<hbm>>
    %dma_wait3A_323 = tpu.memref_squeeze %dma_wait3A_322 : memref<1x64x768xf32, #tpu.memory_space<hbm>> -> memref<64x768xf32, #tpu.memory_space<hbm>>
    %dma_wait3A_324 = arith.constant 0 : i32
    %dma_wait3A_325 = tpu.memref_slice %arg3[%dma_wait3A_316, %add3A_215, %dma_wait3A_324] : memref<4x8192x768xf32, #tpu.memory_space<hbm>> -> memref<1x64x768xf32, #tpu.memory_space<hbm>>
    %dma_wait3A_326 = tpu.memref_squeeze %dma_wait3A_325 : memref<1x64x768xf32, #tpu.memory_space<hbm>> -> memref<64x768xf32, #tpu.memory_space<hbm>>
    %dma_wait3A_327 = arith.constant 0 : i32
    %dma_wait3A_328 = arith.constant 0 : i32
    %dma_wait3A_329 = tpu.memref_slice %arg4[%dma_wait3A_315, %dma_wait3A_327, %dma_wait3A_328] : memref<2x64x768xf32, #tpu.memory_space<vmem>> -> memref<1x64x768xf32, #tpu.memory_space<vmem>>
    %dma_wait3A_330 = tpu.memref_squeeze %dma_wait3A_329 : memref<1x64x768xf32, #tpu.memory_space<vmem>> -> memref<64x768xf32, #tpu.memory_space<vmem>>
    tpu.wait_dma2 semaphore(%arg6 : memref<!tpu.dma_semaphore, #tpu.memory_space<semaphore_mem>>) src(%dma_wait3A_330 : memref<64x768xf32, #tpu.memory_space<vmem>>) dst(%dma_wait3A_326 : memref<64x768xf32, #tpu.memory_space<hbm>>)
    %dma_wait3A_331 = arith.constant 1 : i32
    %dma_wait3A_332 = arith.constant 2 : i32
    %dma_wait3A_333 = arith.constant 0 : i32
    %dma_wait3A_334 = arith.constant 0 : i32
    %dma_wait3A_335 = tpu.memref_slice %arg4[%dma_wait3A_331, %dma_wait3A_333, %dma_wait3A_334] : memref<2x64x768xf32, #tpu.memory_space<vmem>> -> memref<1x64x768xf32, #tpu.memory_space<vmem>>
    %dma_wait3A_336 = tpu.memref_squeeze %dma_wait3A_335 : memref<1x64x768xf32, #tpu.memory_space<vmem>> -> memref<64x768xf32, #tpu.memory_space<vmem>>
    %dma_wait3A_337 = arith.constant 0 : i32
    %dma_wait3A_338 = tpu.memref_slice %arg3[%dma_wait3A_332, %add3A_217, %dma_wait3A_337] : memref<4x8192x768xf32, #tpu.memory_space<hbm>> -> memref<1x64x768xf32, #tpu.memory_space<hbm>>
    %dma_wait3A_339 = tpu.memref_squeeze %dma_wait3A_338 : memref<1x64x768xf32, #tpu.memory_space<hbm>> -> memref<64x768xf32, #tpu.memory_space<hbm>>
    %dma_wait3A_340 = arith.constant 0 : i32
    %dma_wait3A_341 = tpu.memref_slice %arg3[%dma_wait3A_332, %add3A_217, %dma_wait3A_340] : memref<4x8192x768xf32, #tpu.memory_space<hbm>> -> memref<1x64x768xf32, #tpu.memory_space<hbm>>
    %dma_wait3A_342 = tpu.memref_squeeze %dma_wait3A_341 : memref<1x64x768xf32, #tpu.memory_space<hbm>> -> memref<64x768xf32, #tpu.memory_space<hbm>>
    %dma_wait3A_343 = arith.constant 0 : i32
    %dma_wait3A_344 = arith.constant 0 : i32
    %dma_wait3A_345 = tpu.memref_slice %arg4[%dma_wait3A_331, %dma_wait3A_343, %dma_wait3A_344] : memref<2x64x768xf32, #tpu.memory_space<vmem>> -> memref<1x64x768xf32, #tpu.memory_space<vmem>>
    %dma_wait3A_346 = tpu.memref_squeeze %dma_wait3A_345 : memref<1x64x768xf32, #tpu.memory_space<vmem>> -> memref<64x768xf32, #tpu.memory_space<vmem>>
    tpu.wait_dma2 semaphore(%arg6 : memref<!tpu.dma_semaphore, #tpu.memory_space<semaphore_mem>>) src(%dma_wait3A_346 : memref<64x768xf32, #tpu.memory_space<vmem>>) dst(%dma_wait3A_342 : memref<64x768xf32, #tpu.memory_space<hbm>>)
    %dma_wait3A_347 = arith.constant 1 : i32
    %dma_wait3A_348 = arith.constant 3 : i32
    %dma_wait3A_349 = arith.constant 0 : i32
    %dma_wait3A_350 = arith.constant 0 : i32
    %dma_wait3A_351 = tpu.memref_slice %arg4[%dma_wait3A_347, %dma_wait3A_349, %dma_wait3A_350] : memref<2x64x768xf32, #tpu.memory_space<vmem>> -> memref<1x64x768xf32, #tpu.memory_space<vmem>>
    %dma_wait3A_352 = tpu.memref_squeeze %dma_wait3A_351 : memref<1x64x768xf32, #tpu.memory_space<vmem>> -> memref<64x768xf32, #tpu.memory_space<vmem>>
    %dma_wait3A_353 = arith.constant 0 : i32
    %dma_wait3A_354 = tpu.memref_slice %arg3[%dma_wait3A_348, %add3A_219, %dma_wait3A_353] : memref<4x8192x768xf32, #tpu.memory_space<hbm>> -> memref<1x64x768xf32, #tpu.memory_space<hbm>>
    %dma_wait3A_355 = tpu.memref_squeeze %dma_wait3A_354 : memref<1x64x768xf32, #tpu.memory_space<hbm>> -> memref<64x768xf32, #tpu.memory_space<hbm>>
    %dma_wait3A_356 = arith.constant 0 : i32
    %dma_wait3A_357 = tpu.memref_slice %arg3[%dma_wait3A_348, %add3A_219, %dma_wait3A_356] : memref<4x8192x768xf32, #tpu.memory_space<hbm>> -> memref<1x64x768xf32, #tpu.memory_space<hbm>>
    %dma_wait3A_358 = tpu.memref_squeeze %dma_wait3A_357 : memref<1x64x768xf32, #tpu.memory_space<hbm>> -> memref<64x768xf32, #tpu.memory_space<hbm>>
    %dma_wait3A_359 = arith.constant 0 : i32
    %dma_wait3A_360 = arith.constant 0 : i32
    %dma_wait3A_361 = tpu.memref_slice %arg4[%dma_wait3A_347, %dma_wait3A_359, %dma_wait3A_360] : memref<2x64x768xf32, #tpu.memory_space<vmem>> -> memref<1x64x768xf32, #tpu.memory_space<vmem>>
    %dma_wait3A_362 = tpu.memref_squeeze %dma_wait3A_361 : memref<1x64x768xf32, #tpu.memory_space<vmem>> -> memref<64x768xf32, #tpu.memory_space<vmem>>
    tpu.wait_dma2 semaphore(%arg6 : memref<!tpu.dma_semaphore, #tpu.memory_space<semaphore_mem>>) src(%dma_wait3A_362 : memref<64x768xf32, #tpu.memory_space<vmem>>) dst(%dma_wait3A_358 : memref<64x768xf32, #tpu.memory_space<hbm>>)
    %add3A_363 = arith.constant 192 : i32
    %add3A_364 = arith.addi %mul3A_2, %add3A_363 : i32
    %dma_start3A_365 = arith.constant 1 : i32
    %dma_start3A_366 = arith.constant 0 : i32
    %dma_start3A_367 = arith.constant 0 : i32
    %dma_start3A_368 = tpu.memref_slice %arg4[%dma_start3A_365, %dma_start3A_366, %dma_start3A_367] : memref<2x64x768xf32, #tpu.memory_space<vmem>> -> memref<1x64x768xf32, #tpu.memory_space<vmem>>
    %dma_start3A_369 = tpu.memref_squeeze %dma_start3A_368 : memref<1x64x768xf32, #tpu.memory_space<vmem>> -> memref<64x768xf32, #tpu.memory_space<vmem>>
    %dma_start3A_370 = arith.constant 0 : i32
    %dma_start3A_371 = tpu.memref_slice %arg2[%add3A_364, %dma_start3A_370] : memref<8192x768xf32, #tpu.memory_space<hbm>> -> memref<64x768xf32, #tpu.memory_space<hbm>>
    %dma_start3A_372 = arith.constant 0 : i32
    %dma_start3A_373 = arith.constant 0 : i32
    %dma_start3A_374 = tpu.memref_slice %arg4[%dma_start3A_365, %dma_start3A_372, %dma_start3A_373] : memref<2x64x768xf32, #tpu.memory_space<vmem>> -> memref<1x64x768xf32, #tpu.memory_space<vmem>>
    %dma_start3A_375 = tpu.memref_squeeze %dma_start3A_374 : memref<1x64x768xf32, #tpu.memory_space<vmem>> -> memref<64x768xf32, #tpu.memory_space<vmem>>
    %dma_start3A_376 = arith.constant 0 : i32
    %dma_start3A_377 = tpu.memref_slice %arg2[%add3A_364, %dma_start3A_376] : memref<8192x768xf32, #tpu.memory_space<hbm>> -> memref<64x768xf32, #tpu.memory_space<hbm>>
    tpu.enqueue_dma source(%dma_start3A_377 : memref<64x768xf32, #tpu.memory_space<hbm>>) target(%dma_start3A_375 : memref<64x768xf32, #tpu.memory_space<vmem>>) target_semaphore(%arg5 : memref<!tpu.dma_semaphore, #tpu.memory_space<semaphore_mem>>)
    %add3A_378 = arith.constant 128 : i32
    %add3A_379 = arith.addi %mul3A_2, %add3A_378 : i32
    %add3A_380 = arith.constant 128 : i32
    %add3A_381 = arith.addi %mul3A_2, %add3A_380 : i32
    %add3A_382 = arith.constant 128 : i32
    %add3A_383 = arith.addi %mul3A_2, %add3A_382 : i32
    %add3A_384 = arith.constant 128 : i32
    %add3A_385 = arith.addi %mul3A_2, %add3A_384 : i32
    %dma_start3A_386 = arith.constant 0 : i32
    %dma_start3A_387 = arith.constant 0 : i32
    %dma_start3A_388 = arith.constant 0 : i32
    %dma_start3A_389 = arith.constant 0 : i32
    %dma_start3A_390 = tpu.memref_slice %arg4[%dma_start3A_386, %dma_start3A_388, %dma_start3A_389] : memref<2x64x768xf32, #tpu.memory_space<vmem>> -> memref<1x64x768xf32, #tpu.memory_space<vmem>>
    %dma_start3A_391 = tpu.memref_squeeze %dma_start3A_390 : memref<1x64x768xf32, #tpu.memory_space<vmem>> -> memref<64x768xf32, #tpu.memory_space<vmem>>
    %dma_start3A_392 = arith.constant 0 : i32
    %dma_start3A_393 = tpu.memref_slice %arg3[%dma_start3A_387, %add3A_379, %dma_start3A_392] : memref<4x8192x768xf32, #tpu.memory_space<hbm>> -> memref<1x64x768xf32, #tpu.memory_space<hbm>>
    %dma_start3A_394 = tpu.memref_squeeze %dma_start3A_393 : memref<1x64x768xf32, #tpu.memory_space<hbm>> -> memref<64x768xf32, #tpu.memory_space<hbm>>
    %dma_start3A_395 = arith.constant 0 : i32
    %dma_start3A_396 = tpu.memref_slice %arg3[%dma_start3A_387, %add3A_379, %dma_start3A_395] : memref<4x8192x768xf32, #tpu.memory_space<hbm>> -> memref<1x64x768xf32, #tpu.memory_space<hbm>>
    %dma_start3A_397 = tpu.memref_squeeze %dma_start3A_396 : memref<1x64x768xf32, #tpu.memory_space<hbm>> -> memref<64x768xf32, #tpu.memory_space<hbm>>
    %dma_start3A_398 = arith.constant 0 : i32
    %dma_start3A_399 = arith.constant 0 : i32
    %dma_start3A_400 = tpu.memref_slice %arg4[%dma_start3A_386, %dma_start3A_398, %dma_start3A_399] : memref<2x64x768xf32, #tpu.memory_space<vmem>> -> memref<1x64x768xf32, #tpu.memory_space<vmem>>
    %dma_start3A_401 = tpu.memref_squeeze %dma_start3A_400 : memref<1x64x768xf32, #tpu.memory_space<vmem>> -> memref<64x768xf32, #tpu.memory_space<vmem>>
    tpu.enqueue_dma source(%dma_start3A_401 : memref<64x768xf32, #tpu.memory_space<vmem>>) target(%dma_start3A_397 : memref<64x768xf32, #tpu.memory_space<hbm>>) target_semaphore(%arg6 : memref<!tpu.dma_semaphore, #tpu.memory_space<semaphore_mem>>)
    %dma_start3A_402 = arith.constant 0 : i32
    %dma_start3A_403 = arith.constant 1 : i32
    %dma_start3A_404 = arith.constant 0 : i32
    %dma_start3A_405 = arith.constant 0 : i32
    %dma_start3A_406 = tpu.memref_slice %arg4[%dma_start3A_402, %dma_start3A_404, %dma_start3A_405] : memref<2x64x768xf32, #tpu.memory_space<vmem>> -> memref<1x64x768xf32, #tpu.memory_space<vmem>>
    %dma_start3A_407 = tpu.memref_squeeze %dma_start3A_406 : memref<1x64x768xf32, #tpu.memory_space<vmem>> -> memref<64x768xf32, #tpu.memory_space<vmem>>
    %dma_start3A_408 = arith.constant 0 : i32
    %dma_start3A_409 = tpu.memref_slice %arg3[%dma_start3A_403, %add3A_381, %dma_start3A_408] : memref<4x8192x768xf32, #tpu.memory_space<hbm>> -> memref<1x64x768xf32, #tpu.memory_space<hbm>>
    %dma_start3A_410 = tpu.memref_squeeze %dma_start3A_409 : memref<1x64x768xf32, #tpu.memory_space<hbm>> -> memref<64x768xf32, #tpu.memory_space<hbm>>
    %dma_start3A_411 = arith.constant 0 : i32
    %dma_start3A_412 = tpu.memref_slice %arg3[%dma_start3A_403, %add3A_381, %dma_start3A_411] : memref<4x8192x768xf32, #tpu.memory_space<hbm>> -> memref<1x64x768xf32, #tpu.memory_space<hbm>>
    %dma_start3A_413 = tpu.memref_squeeze %dma_start3A_412 : memref<1x64x768xf32, #tpu.memory_space<hbm>> -> memref<64x768xf32, #tpu.memory_space<hbm>>
    %dma_start3A_414 = arith.constant 0 : i32
    %dma_start3A_415 = arith.constant 0 : i32
    %dma_start3A_416 = tpu.memref_slice %arg4[%dma_start3A_402, %dma_start3A_414, %dma_start3A_415] : memref<2x64x768xf32, #tpu.memory_space<vmem>> -> memref<1x64x768xf32, #tpu.memory_space<vmem>>
    %dma_start3A_417 = tpu.memref_squeeze %dma_start3A_416 : memref<1x64x768xf32, #tpu.memory_space<vmem>> -> memref<64x768xf32, #tpu.memory_space<vmem>>
    tpu.enqueue_dma source(%dma_start3A_417 : memref<64x768xf32, #tpu.memory_space<vmem>>) target(%dma_start3A_413 : memref<64x768xf32, #tpu.memory_space<hbm>>) target_semaphore(%arg6 : memref<!tpu.dma_semaphore, #tpu.memory_space<semaphore_mem>>)
    %dma_start3A_418 = arith.constant 0 : i32
    %dma_start3A_419 = arith.constant 2 : i32
    %dma_start3A_420 = arith.constant 0 : i32
    %dma_start3A_421 = arith.constant 0 : i32
    %dma_start3A_422 = tpu.memref_slice %arg4[%dma_start3A_418, %dma_start3A_420, %dma_start3A_421] : memref<2x64x768xf32, #tpu.memory_space<vmem>> -> memref<1x64x768xf32, #tpu.memory_space<vmem>>
    %dma_start3A_423 = tpu.memref_squeeze %dma_start3A_422 : memref<1x64x768xf32, #tpu.memory_space<vmem>> -> memref<64x768xf32, #tpu.memory_space<vmem>>
    %dma_start3A_424 = arith.constant 0 : i32
    %dma_start3A_425 = tpu.memref_slice %arg3[%dma_start3A_419, %add3A_383, %dma_start3A_424] : memref<4x8192x768xf32, #tpu.memory_space<hbm>> -> memref<1x64x768xf32, #tpu.memory_space<hbm>>
    %dma_start3A_426 = tpu.memref_squeeze %dma_start3A_425 : memref<1x64x768xf32, #tpu.memory_space<hbm>> -> memref<64x768xf32, #tpu.memory_space<hbm>>
    %dma_start3A_427 = arith.constant 0 : i32
    %dma_start3A_428 = tpu.memref_slice %arg3[%dma_start3A_419, %add3A_383, %dma_start3A_427] : memref<4x8192x768xf32, #tpu.memory_space<hbm>> -> memref<1x64x768xf32, #tpu.memory_space<hbm>>
    %dma_start3A_429 = tpu.memref_squeeze %dma_start3A_428 : memref<1x64x768xf32, #tpu.memory_space<hbm>> -> memref<64x768xf32, #tpu.memory_space<hbm>>
    %dma_start3A_430 = arith.constant 0 : i32
    %dma_start3A_431 = arith.constant 0 : i32
    %dma_start3A_432 = tpu.memref_slice %arg4[%dma_start3A_418, %dma_start3A_430, %dma_start3A_431] : memref<2x64x768xf32, #tpu.memory_space<vmem>> -> memref<1x64x768xf32, #tpu.memory_space<vmem>>
    %dma_start3A_433 = tpu.memref_squeeze %dma_start3A_432 : memref<1x64x768xf32, #tpu.memory_space<vmem>> -> memref<64x768xf32, #tpu.memory_space<vmem>>
    tpu.enqueue_dma source(%dma_start3A_433 : memref<64x768xf32, #tpu.memory_space<vmem>>) target(%dma_start3A_429 : memref<64x768xf32, #tpu.memory_space<hbm>>) target_semaphore(%arg6 : memref<!tpu.dma_semaphore, #tpu.memory_space<semaphore_mem>>)
    %dma_start3A_434 = arith.constant 0 : i32
    %dma_start3A_435 = arith.constant 3 : i32
    %dma_start3A_436 = arith.constant 0 : i32
    %dma_start3A_437 = arith.constant 0 : i32
    %dma_start3A_438 = tpu.memref_slice %arg4[%dma_start3A_434, %dma_start3A_436, %dma_start3A_437] : memref<2x64x768xf32, #tpu.memory_space<vmem>> -> memref<1x64x768xf32, #tpu.memory_space<vmem>>
    %dma_start3A_439 = tpu.memref_squeeze %dma_start3A_438 : memref<1x64x768xf32, #tpu.memory_space<vmem>> -> memref<64x768xf32, #tpu.memory_space<vmem>>
    %dma_start3A_440 = arith.constant 0 : i32
    %dma_start3A_441 = tpu.memref_slice %arg3[%dma_start3A_435, %add3A_385, %dma_start3A_440] : memref<4x8192x768xf32, #tpu.memory_space<hbm>> -> memref<1x64x768xf32, #tpu.memory_space<hbm>>
    %dma_start3A_442 = tpu.memref_squeeze %dma_start3A_441 : memref<1x64x768xf32, #tpu.memory_space<hbm>> -> memref<64x768xf32, #tpu.memory_space<hbm>>
    %dma_start3A_443 = arith.constant 0 : i32
    %dma_start3A_444 = tpu.memref_slice %arg3[%dma_start3A_435, %add3A_385, %dma_start3A_443] : memref<4x8192x768xf32, #tpu.memory_space<hbm>> -> memref<1x64x768xf32, #tpu.memory_space<hbm>>
    %dma_start3A_445 = tpu.memref_squeeze %dma_start3A_444 : memref<1x64x768xf32, #tpu.memory_space<hbm>> -> memref<64x768xf32, #tpu.memory_space<hbm>>
    %dma_start3A_446 = arith.constant 0 : i32
    %dma_start3A_447 = arith.constant 0 : i32
    %dma_start3A_448 = tpu.memref_slice %arg4[%dma_start3A_434, %dma_start3A_446, %dma_start3A_447] : memref<2x64x768xf32, #tpu.memory_space<vmem>> -> memref<1x64x768xf32, #tpu.memory_space<vmem>>
    %dma_start3A_449 = tpu.memref_squeeze %dma_start3A_448 : memref<1x64x768xf32, #tpu.memory_space<vmem>> -> memref<64x768xf32, #tpu.memory_space<vmem>>
    tpu.enqueue_dma source(%dma_start3A_449 : memref<64x768xf32, #tpu.memory_space<vmem>>) target(%dma_start3A_445 : memref<64x768xf32, #tpu.memory_space<hbm>>) target_semaphore(%arg6 : memref<!tpu.dma_semaphore, #tpu.memory_space<semaphore_mem>>)
    %add3A_450 = arith.constant 192 : i32
    %add3A_451 = arith.addi %mul3A_2, %add3A_450 : i32
    %dma_wait3A_452 = arith.constant 1 : i32
    %dma_wait3A_453 = arith.constant 0 : i32
    %dma_wait3A_454 = arith.constant 0 : i32
    %dma_wait3A_455 = tpu.memref_slice %arg4[%dma_wait3A_452, %dma_wait3A_453, %dma_wait3A_454] : memref<2x64x768xf32, #tpu.memory_space<vmem>> -> memref<1x64x768xf32, #tpu.memory_space<vmem>>
    %dma_wait3A_456 = tpu.memref_squeeze %dma_wait3A_455 : memref<1x64x768xf32, #tpu.memory_space<vmem>> -> memref<64x768xf32, #tpu.memory_space<vmem>>
    %dma_wait3A_457 = arith.constant 0 : i32
    %dma_wait3A_458 = tpu.memref_slice %arg2[%add3A_451, %dma_wait3A_457] : memref<8192x768xf32, #tpu.memory_space<hbm>> -> memref<64x768xf32, #tpu.memory_space<hbm>>
    %dma_wait3A_459 = arith.constant 0 : i32
    %dma_wait3A_460 = arith.constant 0 : i32
    %dma_wait3A_461 = tpu.memref_slice %arg4[%dma_wait3A_452, %dma_wait3A_459, %dma_wait3A_460] : memref<2x64x768xf32, #tpu.memory_space<vmem>> -> memref<1x64x768xf32, #tpu.memory_space<vmem>>
    %dma_wait3A_462 = tpu.memref_squeeze %dma_wait3A_461 : memref<1x64x768xf32, #tpu.memory_space<vmem>> -> memref<64x768xf32, #tpu.memory_space<vmem>>
    %dma_wait3A_463 = arith.constant 0 : i32
    %dma_wait3A_464 = tpu.memref_slice %arg2[%add3A_451, %dma_wait3A_463] : memref<8192x768xf32, #tpu.memory_space<hbm>> -> memref<64x768xf32, #tpu.memory_space<hbm>>
    tpu.wait_dma2 semaphore(%arg5 : memref<!tpu.dma_semaphore, #tpu.memory_space<semaphore_mem>>) src(%dma_wait3A_464 : memref<64x768xf32, #tpu.memory_space<hbm>>) dst(%dma_wait3A_462 : memref<64x768xf32, #tpu.memory_space<vmem>>)
    %dma_wait3A_465 = arith.constant 0 : i32
    %dma_wait3A_466 = arith.constant 0 : i32
    %dma_wait3A_467 = arith.constant 0 : i32
    %dma_wait3A_468 = arith.constant 0 : i32
    %dma_wait3A_469 = tpu.memref_slice %arg4[%dma_wait3A_465, %dma_wait3A_467, %dma_wait3A_468] : memref<2x64x768xf32, #tpu.memory_space<vmem>> -> memref<1x64x768xf32, #tpu.memory_space<vmem>>
    %dma_wait3A_470 = tpu.memref_squeeze %dma_wait3A_469 : memref<1x64x768xf32, #tpu.memory_space<vmem>> -> memref<64x768xf32, #tpu.memory_space<vmem>>
    %dma_wait3A_471 = arith.constant 0 : i32
    %dma_wait3A_472 = tpu.memref_slice %arg3[%dma_wait3A_466, %add3A_379, %dma_wait3A_471] : memref<4x8192x768xf32, #tpu.memory_space<hbm>> -> memref<1x64x768xf32, #tpu.memory_space<hbm>>
    %dma_wait3A_473 = tpu.memref_squeeze %dma_wait3A_472 : memref<1x64x768xf32, #tpu.memory_space<hbm>> -> memref<64x768xf32, #tpu.memory_space<hbm>>
    %dma_wait3A_474 = arith.constant 0 : i32
    %dma_wait3A_475 = tpu.memref_slice %arg3[%dma_wait3A_466, %add3A_379, %dma_wait3A_474] : memref<4x8192x768xf32, #tpu.memory_space<hbm>> -> memref<1x64x768xf32, #tpu.memory_space<hbm>>
    %dma_wait3A_476 = tpu.memref_squeeze %dma_wait3A_475 : memref<1x64x768xf32, #tpu.memory_space<hbm>> -> memref<64x768xf32, #tpu.memory_space<hbm>>
    %dma_wait3A_477 = arith.constant 0 : i32
    %dma_wait3A_478 = arith.constant 0 : i32
    %dma_wait3A_479 = tpu.memref_slice %arg4[%dma_wait3A_465, %dma_wait3A_477, %dma_wait3A_478] : memref<2x64x768xf32, #tpu.memory_space<vmem>> -> memref<1x64x768xf32, #tpu.memory_space<vmem>>
    %dma_wait3A_480 = tpu.memref_squeeze %dma_wait3A_479 : memref<1x64x768xf32, #tpu.memory_space<vmem>> -> memref<64x768xf32, #tpu.memory_space<vmem>>
    tpu.wait_dma2 semaphore(%arg6 : memref<!tpu.dma_semaphore, #tpu.memory_space<semaphore_mem>>) src(%dma_wait3A_480 : memref<64x768xf32, #tpu.memory_space<vmem>>) dst(%dma_wait3A_476 : memref<64x768xf32, #tpu.memory_space<hbm>>)
    %dma_wait3A_481 = arith.constant 0 : i32
    %dma_wait3A_482 = arith.constant 1 : i32
    %dma_wait3A_483 = arith.constant 0 : i32
    %dma_wait3A_484 = arith.constant 0 : i32
    %dma_wait3A_485 = tpu.memref_slice %arg4[%dma_wait3A_481, %dma_wait3A_483, %dma_wait3A_484] : memref<2x64x768xf32, #tpu.memory_space<vmem>> -> memref<1x64x768xf32, #tpu.memory_space<vmem>>
    %dma_wait3A_486 = tpu.memref_squeeze %dma_wait3A_485 : memref<1x64x768xf32, #tpu.memory_space<vmem>> -> memref<64x768xf32, #tpu.memory_space<vmem>>
    %dma_wait3A_487 = arith.constant 0 : i32
    %dma_wait3A_488 = tpu.memref_slice %arg3[%dma_wait3A_482, %add3A_381, %dma_wait3A_487] : memref<4x8192x768xf32, #tpu.memory_space<hbm>> -> memref<1x64x768xf32, #tpu.memory_space<hbm>>
    %dma_wait3A_489 = tpu.memref_squeeze %dma_wait3A_488 : memref<1x64x768xf32, #tpu.memory_space<hbm>> -> memref<64x768xf32, #tpu.memory_space<hbm>>
    %dma_wait3A_490 = arith.constant 0 : i32
    %dma_wait3A_491 = tpu.memref_slice %arg3[%dma_wait3A_482, %add3A_381, %dma_wait3A_490] : memref<4x8192x768xf32, #tpu.memory_space<hbm>> -> memref<1x64x768xf32, #tpu.memory_space<hbm>>
    %dma_wait3A_492 = tpu.memref_squeeze %dma_wait3A_491 : memref<1x64x768xf32, #tpu.memory_space<hbm>> -> memref<64x768xf32, #tpu.memory_space<hbm>>
    %dma_wait3A_493 = arith.constant 0 : i32
    %dma_wait3A_494 = arith.constant 0 : i32
    %dma_wait3A_495 = tpu.memref_slice %arg4[%dma_wait3A_481, %dma_wait3A_493, %dma_wait3A_494] : memref<2x64x768xf32, #tpu.memory_space<vmem>> -> memref<1x64x768xf32, #tpu.memory_space<vmem>>
    %dma_wait3A_496 = tpu.memref_squeeze %dma_wait3A_495 : memref<1x64x768xf32, #tpu.memory_space<vmem>> -> memref<64x768xf32, #tpu.memory_space<vmem>>
    tpu.wait_dma2 semaphore(%arg6 : memref<!tpu.dma_semaphore, #tpu.memory_space<semaphore_mem>>) src(%dma_wait3A_496 : memref<64x768xf32, #tpu.memory_space<vmem>>) dst(%dma_wait3A_492 : memref<64x768xf32, #tpu.memory_space<hbm>>)
    %dma_wait3A_497 = arith.constant 0 : i32
    %dma_wait3A_498 = arith.constant 2 : i32
    %dma_wait3A_499 = arith.constant 0 : i32
    %dma_wait3A_500 = arith.constant 0 : i32
    %dma_wait3A_501 = tpu.memref_slice %arg4[%dma_wait3A_497, %dma_wait3A_499, %dma_wait3A_500] : memref<2x64x768xf32, #tpu.memory_space<vmem>> -> memref<1x64x768xf32, #tpu.memory_space<vmem>>
    %dma_wait3A_502 = tpu.memref_squeeze %dma_wait3A_501 : memref<1x64x768xf32, #tpu.memory_space<vmem>> -> memref<64x768xf32, #tpu.memory_space<vmem>>
    %dma_wait3A_503 = arith.constant 0 : i32
    %dma_wait3A_504 = tpu.memref_slice %arg3[%dma_wait3A_498, %add3A_383, %dma_wait3A_503] : memref<4x8192x768xf32, #tpu.memory_space<hbm>> -> memref<1x64x768xf32, #tpu.memory_space<hbm>>
    %dma_wait3A_505 = tpu.memref_squeeze %dma_wait3A_504 : memref<1x64x768xf32, #tpu.memory_space<hbm>> -> memref<64x768xf32, #tpu.memory_space<hbm>>
    %dma_wait3A_506 = arith.constant 0 : i32
    %dma_wait3A_507 = tpu.memref_slice %arg3[%dma_wait3A_498, %add3A_383, %dma_wait3A_506] : memref<4x8192x768xf32, #tpu.memory_space<hbm>> -> memref<1x64x768xf32, #tpu.memory_space<hbm>>
    %dma_wait3A_508 = tpu.memref_squeeze %dma_wait3A_507 : memref<1x64x768xf32, #tpu.memory_space<hbm>> -> memref<64x768xf32, #tpu.memory_space<hbm>>
    %dma_wait3A_509 = arith.constant 0 : i32
    %dma_wait3A_510 = arith.constant 0 : i32
    %dma_wait3A_511 = tpu.memref_slice %arg4[%dma_wait3A_497, %dma_wait3A_509, %dma_wait3A_510] : memref<2x64x768xf32, #tpu.memory_space<vmem>> -> memref<1x64x768xf32, #tpu.memory_space<vmem>>
    %dma_wait3A_512 = tpu.memref_squeeze %dma_wait3A_511 : memref<1x64x768xf32, #tpu.memory_space<vmem>> -> memref<64x768xf32, #tpu.memory_space<vmem>>
    tpu.wait_dma2 semaphore(%arg6 : memref<!tpu.dma_semaphore, #tpu.memory_space<semaphore_mem>>) src(%dma_wait3A_512 : memref<64x768xf32, #tpu.memory_space<vmem>>) dst(%dma_wait3A_508 : memref<64x768xf32, #tpu.memory_space<hbm>>)
    %dma_wait3A_513 = arith.constant 0 : i32
    %dma_wait3A_514 = arith.constant 3 : i32
    %dma_wait3A_515 = arith.constant 0 : i32
    %dma_wait3A_516 = arith.constant 0 : i32
    %dma_wait3A_517 = tpu.memref_slice %arg4[%dma_wait3A_513, %dma_wait3A_515, %dma_wait3A_516] : memref<2x64x768xf32, #tpu.memory_space<vmem>> -> memref<1x64x768xf32, #tpu.memory_space<vmem>>
    %dma_wait3A_518 = tpu.memref_squeeze %dma_wait3A_517 : memref<1x64x768xf32, #tpu.memory_space<vmem>> -> memref<64x768xf32, #tpu.memory_space<vmem>>
    %dma_wait3A_519 = arith.constant 0 : i32
    %dma_wait3A_520 = tpu.memref_slice %arg3[%dma_wait3A_514, %add3A_385, %dma_wait3A_519] : memref<4x8192x768xf32, #tpu.memory_space<hbm>> -> memref<1x64x768xf32, #tpu.memory_space<hbm>>
    %dma_wait3A_521 = tpu.memref_squeeze %dma_wait3A_520 : memref<1x64x768xf32, #tpu.memory_space<hbm>> -> memref<64x768xf32, #tpu.memory_space<hbm>>
    %dma_wait3A_522 = arith.constant 0 : i32
    %dma_wait3A_523 = tpu.memref_slice %arg3[%dma_wait3A_514, %add3A_385, %dma_wait3A_522] : memref<4x8192x768xf32, #tpu.memory_space<hbm>> -> memref<1x64x768xf32, #tpu.memory_space<hbm>>
    %dma_wait3A_524 = tpu.memref_squeeze %dma_wait3A_523 : memref<1x64x768xf32, #tpu.memory_space<hbm>> -> memref<64x768xf32, #tpu.memory_space<hbm>>
    %dma_wait3A_525 = arith.constant 0 : i32
    %dma_wait3A_526 = arith.constant 0 : i32
    %dma_wait3A_527 = tpu.memref_slice %arg4[%dma_wait3A_513, %dma_wait3A_525, %dma_wait3A_526] : memref<2x64x768xf32, #tpu.memory_space<vmem>> -> memref<1x64x768xf32, #tpu.memory_space<vmem>>
    %dma_wait3A_528 = tpu.memref_squeeze %dma_wait3A_527 : memref<1x64x768xf32, #tpu.memory_space<vmem>> -> memref<64x768xf32, #tpu.memory_space<vmem>>
    tpu.wait_dma2 semaphore(%arg6 : memref<!tpu.dma_semaphore, #tpu.memory_space<semaphore_mem>>) src(%dma_wait3A_528 : memref<64x768xf32, #tpu.memory_space<vmem>>) dst(%dma_wait3A_524 : memref<64x768xf32, #tpu.memory_space<hbm>>)
    %add3A_529 = arith.constant 192 : i32
    %add3A_530 = arith.addi %mul3A_2, %add3A_529 : i32
    %add3A_531 = arith.constant 192 : i32
    %add3A_532 = arith.addi %mul3A_2, %add3A_531 : i32
    %add3A_533 = arith.constant 192 : i32
    %add3A_534 = arith.addi %mul3A_2, %add3A_533 : i32
    %add3A_535 = arith.constant 192 : i32
    %add3A_536 = arith.addi %mul3A_2, %add3A_535 : i32
    %dma_start3A_537 = arith.constant 1 : i32
    %dma_start3A_538 = arith.constant 0 : i32
    %dma_start3A_539 = arith.constant 0 : i32
    %dma_start3A_540 = arith.constant 0 : i32
    %dma_start3A_541 = tpu.memref_slice %arg4[%dma_start3A_537, %dma_start3A_539, %dma_start3A_540] : memref<2x64x768xf32, #tpu.memory_space<vmem>> -> memref<1x64x768xf32, #tpu.memory_space<vmem>>
    %dma_start3A_542 = tpu.memref_squeeze %dma_start3A_541 : memref<1x64x768xf32, #tpu.memory_space<vmem>> -> memref<64x768xf32, #tpu.memory_space<vmem>>
    %dma_start3A_543 = arith.constant 0 : i32
    %dma_start3A_544 = tpu.memref_slice %arg3[%dma_start3A_538, %add3A_530, %dma_start3A_543] : memref<4x8192x768xf32, #tpu.memory_space<hbm>> -> memref<1x64x768xf32, #tpu.memory_space<hbm>>
    %dma_start3A_545 = tpu.memref_squeeze %dma_start3A_544 : memref<1x64x768xf32, #tpu.memory_space<hbm>> -> memref<64x768xf32, #tpu.memory_space<hbm>>
    %dma_start3A_546 = arith.constant 0 : i32
    %dma_start3A_547 = tpu.memref_slice %arg3[%dma_start3A_538, %add3A_530, %dma_start3A_546] : memref<4x8192x768xf32, #tpu.memory_space<hbm>> -> memref<1x64x768xf32, #tpu.memory_space<hbm>>
    %dma_start3A_548 = tpu.memref_squeeze %dma_start3A_547 : memref<1x64x768xf32, #tpu.memory_space<hbm>> -> memref<64x768xf32, #tpu.memory_space<hbm>>
    %dma_start3A_549 = arith.constant 0 : i32
    %dma_start3A_550 = arith.constant 0 : i32
    %dma_start3A_551 = tpu.memref_slice %arg4[%dma_start3A_537, %dma_start3A_549, %dma_start3A_550] : memref<2x64x768xf32, #tpu.memory_space<vmem>> -> memref<1x64x768xf32, #tpu.memory_space<vmem>>
    %dma_start3A_552 = tpu.memref_squeeze %dma_start3A_551 : memref<1x64x768xf32, #tpu.memory_space<vmem>> -> memref<64x768xf32, #tpu.memory_space<vmem>>
    tpu.enqueue_dma source(%dma_start3A_552 : memref<64x768xf32, #tpu.memory_space<vmem>>) target(%dma_start3A_548 : memref<64x768xf32, #tpu.memory_space<hbm>>) target_semaphore(%arg6 : memref<!tpu.dma_semaphore, #tpu.memory_space<semaphore_mem>>)
    %dma_start3A_553 = arith.constant 1 : i32
    %dma_start3A_554 = arith.constant 1 : i32
    %dma_start3A_555 = arith.constant 0 : i32
    %dma_start3A_556 = arith.constant 0 : i32
    %dma_start3A_557 = tpu.memref_slice %arg4[%dma_start3A_553, %dma_start3A_555, %dma_start3A_556] : memref<2x64x768xf32, #tpu.memory_space<vmem>> -> memref<1x64x768xf32, #tpu.memory_space<vmem>>
    %dma_start3A_558 = tpu.memref_squeeze %dma_start3A_557 : memref<1x64x768xf32, #tpu.memory_space<vmem>> -> memref<64x768xf32, #tpu.memory_space<vmem>>
    %dma_start3A_559 = arith.constant 0 : i32
    %dma_start3A_560 = tpu.memref_slice %arg3[%dma_start3A_554, %add3A_532, %dma_start3A_559] : memref<4x8192x768xf32, #tpu.memory_space<hbm>> -> memref<1x64x768xf32, #tpu.memory_space<hbm>>
    %dma_start3A_561 = tpu.memref_squeeze %dma_start3A_560 : memref<1x64x768xf32, #tpu.memory_space<hbm>> -> memref<64x768xf32, #tpu.memory_space<hbm>>
    %dma_start3A_562 = arith.constant 0 : i32
    %dma_start3A_563 = tpu.memref_slice %arg3[%dma_start3A_554, %add3A_532, %dma_start3A_562] : memref<4x8192x768xf32, #tpu.memory_space<hbm>> -> memref<1x64x768xf32, #tpu.memory_space<hbm>>
    %dma_start3A_564 = tpu.memref_squeeze %dma_start3A_563 : memref<1x64x768xf32, #tpu.memory_space<hbm>> -> memref<64x768xf32, #tpu.memory_space<hbm>>
    %dma_start3A_565 = arith.constant 0 : i32
    %dma_start3A_566 = arith.constant 0 : i32
    %dma_start3A_567 = tpu.memref_slice %arg4[%dma_start3A_553, %dma_start3A_565, %dma_start3A_566] : memref<2x64x768xf32, #tpu.memory_space<vmem>> -> memref<1x64x768xf32, #tpu.memory_space<vmem>>
    %dma_start3A_568 = tpu.memref_squeeze %dma_start3A_567 : memref<1x64x768xf32, #tpu.memory_space<vmem>> -> memref<64x768xf32, #tpu.memory_space<vmem>>
    tpu.enqueue_dma source(%dma_start3A_568 : memref<64x768xf32, #tpu.memory_space<vmem>>) target(%dma_start3A_564 : memref<64x768xf32, #tpu.memory_space<hbm>>) target_semaphore(%arg6 : memref<!tpu.dma_semaphore, #tpu.memory_space<semaphore_mem>>)
    %dma_start3A_569 = arith.constant 1 : i32
    %dma_start3A_570 = arith.constant 2 : i32
    %dma_start3A_571 = arith.constant 0 : i32
    %dma_start3A_572 = arith.constant 0 : i32
    %dma_start3A_573 = tpu.memref_slice %arg4[%dma_start3A_569, %dma_start3A_571, %dma_start3A_572] : memref<2x64x768xf32, #tpu.memory_space<vmem>> -> memref<1x64x768xf32, #tpu.memory_space<vmem>>
    %dma_start3A_574 = tpu.memref_squeeze %dma_start3A_573 : memref<1x64x768xf32, #tpu.memory_space<vmem>> -> memref<64x768xf32, #tpu.memory_space<vmem>>
    %dma_start3A_575 = arith.constant 0 : i32
    %dma_start3A_576 = tpu.memref_slice %arg3[%dma_start3A_570, %add3A_534, %dma_start3A_575] : memref<4x8192x768xf32, #tpu.memory_space<hbm>> -> memref<1x64x768xf32, #tpu.memory_space<hbm>>
    %dma_start3A_577 = tpu.memref_squeeze %dma_start3A_576 : memref<1x64x768xf32, #tpu.memory_space<hbm>> -> memref<64x768xf32, #tpu.memory_space<hbm>>
    %dma_start3A_578 = arith.constant 0 : i32
    %dma_start3A_579 = tpu.memref_slice %arg3[%dma_start3A_570, %add3A_534, %dma_start3A_578] : memref<4x8192x768xf32, #tpu.memory_space<hbm>> -> memref<1x64x768xf32, #tpu.memory_space<hbm>>
    %dma_start3A_580 = tpu.memref_squeeze %dma_start3A_579 : memref<1x64x768xf32, #tpu.memory_space<hbm>> -> memref<64x768xf32, #tpu.memory_space<hbm>>
    %dma_start3A_581 = arith.constant 0 : i32
    %dma_start3A_582 = arith.constant 0 : i32
    %dma_start3A_583 = tpu.memref_slice %arg4[%dma_start3A_569, %dma_start3A_581, %dma_start3A_582] : memref<2x64x768xf32, #tpu.memory_space<vmem>> -> memref<1x64x768xf32, #tpu.memory_space<vmem>>
    %dma_start3A_584 = tpu.memref_squeeze %dma_start3A_583 : memref<1x64x768xf32, #tpu.memory_space<vmem>> -> memref<64x768xf32, #tpu.memory_space<vmem>>
    tpu.enqueue_dma source(%dma_start3A_584 : memref<64x768xf32, #tpu.memory_space<vmem>>) target(%dma_start3A_580 : memref<64x768xf32, #tpu.memory_space<hbm>>) target_semaphore(%arg6 : memref<!tpu.dma_semaphore, #tpu.memory_space<semaphore_mem>>)
    %dma_start3A_585 = arith.constant 1 : i32
    %dma_start3A_586 = arith.constant 3 : i32
    %dma_start3A_587 = arith.constant 0 : i32
    %dma_start3A_588 = arith.constant 0 : i32
    %dma_start3A_589 = tpu.memref_slice %arg4[%dma_start3A_585, %dma_start3A_587, %dma_start3A_588] : memref<2x64x768xf32, #tpu.memory_space<vmem>> -> memref<1x64x768xf32, #tpu.memory_space<vmem>>
    %dma_start3A_590 = tpu.memref_squeeze %dma_start3A_589 : memref<1x64x768xf32, #tpu.memory_space<vmem>> -> memref<64x768xf32, #tpu.memory_space<vmem>>
    %dma_start3A_591 = arith.constant 0 : i32
    %dma_start3A_592 = tpu.memref_slice %arg3[%dma_start3A_586, %add3A_536, %dma_start3A_591] : memref<4x8192x768xf32, #tpu.memory_space<hbm>> -> memref<1x64x768xf32, #tpu.memory_space<hbm>>
    %dma_start3A_593 = tpu.memref_squeeze %dma_start3A_592 : memref<1x64x768xf32, #tpu.memory_space<hbm>> -> memref<64x768xf32, #tpu.memory_space<hbm>>
    %dma_start3A_594 = arith.constant 0 : i32
    %dma_start3A_595 = tpu.memref_slice %arg3[%dma_start3A_586, %add3A_536, %dma_start3A_594] : memref<4x8192x768xf32, #tpu.memory_space<hbm>> -> memref<1x64x768xf32, #tpu.memory_space<hbm>>
    %dma_start3A_596 = tpu.memref_squeeze %dma_start3A_595 : memref<1x64x768xf32, #tpu.memory_space<hbm>> -> memref<64x768xf32, #tpu.memory_space<hbm>>
    %dma_start3A_597 = arith.constant 0 : i32
    %dma_start3A_598 = arith.constant 0 : i32
    %dma_start3A_599 = tpu.memref_slice %arg4[%dma_start3A_585, %dma_start3A_597, %dma_start3A_598] : memref<2x64x768xf32, #tpu.memory_space<vmem>> -> memref<1x64x768xf32, #tpu.memory_space<vmem>>
    %dma_start3A_600 = tpu.memref_squeeze %dma_start3A_599 : memref<1x64x768xf32, #tpu.memory_space<vmem>> -> memref<64x768xf32, #tpu.memory_space<vmem>>
    tpu.enqueue_dma source(%dma_start3A_600 : memref<64x768xf32, #tpu.memory_space<vmem>>) target(%dma_start3A_596 : memref<64x768xf32, #tpu.memory_space<hbm>>) target_semaphore(%arg6 : memref<!tpu.dma_semaphore, #tpu.memory_space<semaphore_mem>>)
    %dma_wait3A_601 = arith.constant 1 : i32
    %dma_wait3A_602 = arith.constant 0 : i32
    %dma_wait3A_603 = arith.constant 0 : i32
    %dma_wait3A_604 = arith.constant 0 : i32
    %dma_wait3A_605 = tpu.memref_slice %arg4[%dma_wait3A_601, %dma_wait3A_603, %dma_wait3A_604] : memref<2x64x768xf32, #tpu.memory_space<vmem>> -> memref<1x64x768xf32, #tpu.memory_space<vmem>>
    %dma_wait3A_606 = tpu.memref_squeeze %dma_wait3A_605 : memref<1x64x768xf32, #tpu.memory_space<vmem>> -> memref<64x768xf32, #tpu.memory_space<vmem>>
    %dma_wait3A_607 = arith.constant 0 : i32
    %dma_wait3A_608 = tpu.memref_slice %arg3[%dma_wait3A_602, %add3A_530, %dma_wait3A_607] : memref<4x8192x768xf32, #tpu.memory_space<hbm>> -> memref<1x64x768xf32, #tpu.memory_space<hbm>>
    %dma_wait3A_609 = tpu.memref_squeeze %dma_wait3A_608 : memref<1x64x768xf32, #tpu.memory_space<hbm>> -> memref<64x768xf32, #tpu.memory_space<hbm>>
    %dma_wait3A_610 = arith.constant 0 : i32
    %dma_wait3A_611 = tpu.memref_slice %arg3[%dma_wait3A_602, %add3A_530, %dma_wait3A_610] : memref<4x8192x768xf32, #tpu.memory_space<hbm>> -> memref<1x64x768xf32, #tpu.memory_space<hbm>>
    %dma_wait3A_612 = tpu.memref_squeeze %dma_wait3A_611 : memref<1x64x768xf32, #tpu.memory_space<hbm>> -> memref<64x768xf32, #tpu.memory_space<hbm>>
    %dma_wait3A_613 = arith.constant 0 : i32
    %dma_wait3A_614 = arith.constant 0 : i32
    %dma_wait3A_615 = tpu.memref_slice %arg4[%dma_wait3A_601, %dma_wait3A_613, %dma_wait3A_614] : memref<2x64x768xf32, #tpu.memory_space<vmem>> -> memref<1x64x768xf32, #tpu.memory_space<vmem>>
    %dma_wait3A_616 = tpu.memref_squeeze %dma_wait3A_615 : memref<1x64x768xf32, #tpu.memory_space<vmem>> -> memref<64x768xf32, #tpu.memory_space<vmem>>
    tpu.wait_dma2 semaphore(%arg6 : memref<!tpu.dma_semaphore, #tpu.memory_space<semaphore_mem>>) src(%dma_wait3A_616 : memref<64x768xf32, #tpu.memory_space<vmem>>) dst(%dma_wait3A_612 : memref<64x768xf32, #tpu.memory_space<hbm>>)
    %dma_wait3A_617 = arith.constant 1 : i32
    %dma_wait3A_618 = arith.constant 1 : i32
    %dma_wait3A_619 = arith.constant 0 : i32
    %dma_wait3A_620 = arith.constant 0 : i32
    %dma_wait3A_621 = tpu.memref_slice %arg4[%dma_wait3A_617, %dma_wait3A_619, %dma_wait3A_620] : memref<2x64x768xf32, #tpu.memory_space<vmem>> -> memref<1x64x768xf32, #tpu.memory_space<vmem>>
    %dma_wait3A_622 = tpu.memref_squeeze %dma_wait3A_621 : memref<1x64x768xf32, #tpu.memory_space<vmem>> -> memref<64x768xf32, #tpu.memory_space<vmem>>
    %dma_wait3A_623 = arith.constant 0 : i32
    %dma_wait3A_624 = tpu.memref_slice %arg3[%dma_wait3A_618, %add3A_532, %dma_wait3A_623] : memref<4x8192x768xf32, #tpu.memory_space<hbm>> -> memref<1x64x768xf32, #tpu.memory_space<hbm>>
    %dma_wait3A_625 = tpu.memref_squeeze %dma_wait3A_624 : memref<1x64x768xf32, #tpu.memory_space<hbm>> -> memref<64x768xf32, #tpu.memory_space<hbm>>
    %dma_wait3A_626 = arith.constant 0 : i32
    %dma_wait3A_627 = tpu.memref_slice %arg3[%dma_wait3A_618, %add3A_532, %dma_wait3A_626] : memref<4x8192x768xf32, #tpu.memory_space<hbm>> -> memref<1x64x768xf32, #tpu.memory_space<hbm>>
    %dma_wait3A_628 = tpu.memref_squeeze %dma_wait3A_627 : memref<1x64x768xf32, #tpu.memory_space<hbm>> -> memref<64x768xf32, #tpu.memory_space<hbm>>
    %dma_wait3A_629 = arith.constant 0 : i32
    %dma_wait3A_630 = arith.constant 0 : i32
    %dma_wait3A_631 = tpu.memref_slice %arg4[%dma_wait3A_617, %dma_wait3A_629, %dma_wait3A_630] : memref<2x64x768xf32, #tpu.memory_space<vmem>> -> memref<1x64x768xf32, #tpu.memory_space<vmem>>
    %dma_wait3A_632 = tpu.memref_squeeze %dma_wait3A_631 : memref<1x64x768xf32, #tpu.memory_space<vmem>> -> memref<64x768xf32, #tpu.memory_space<vmem>>
    tpu.wait_dma2 semaphore(%arg6 : memref<!tpu.dma_semaphore, #tpu.memory_space<semaphore_mem>>) src(%dma_wait3A_632 : memref<64x768xf32, #tpu.memory_space<vmem>>) dst(%dma_wait3A_628 : memref<64x768xf32, #tpu.memory_space<hbm>>)
    %dma_wait3A_633 = arith.constant 1 : i32
    %dma_wait3A_634 = arith.constant 2 : i32
    %dma_wait3A_635 = arith.constant 0 : i32
    %dma_wait3A_636 = arith.constant 0 : i32
    %dma_wait3A_637 = tpu.memref_slice %arg4[%dma_wait3A_633, %dma_wait3A_635, %dma_wait3A_636] : memref<2x64x768xf32, #tpu.memory_space<vmem>> -> memref<1x64x768xf32, #tpu.memory_space<vmem>>
    %dma_wait3A_638 = tpu.memref_squeeze %dma_wait3A_637 : memref<1x64x768xf32, #tpu.memory_space<vmem>> -> memref<64x768xf32, #tpu.memory_space<vmem>>
    %dma_wait3A_639 = arith.constant 0 : i32
    %dma_wait3A_640 = tpu.memref_slice %arg3[%dma_wait3A_634, %add3A_534, %dma_wait3A_639] : memref<4x8192x768xf32, #tpu.memory_space<hbm>> -> memref<1x64x768xf32, #tpu.memory_space<hbm>>
    %dma_wait3A_641 = tpu.memref_squeeze %dma_wait3A_640 : memref<1x64x768xf32, #tpu.memory_space<hbm>> -> memref<64x768xf32, #tpu.memory_space<hbm>>
    %dma_wait3A_642 = arith.constant 0 : i32
    %dma_wait3A_643 = tpu.memref_slice %arg3[%dma_wait3A_634, %add3A_534, %dma_wait3A_642] : memref<4x8192x768xf32, #tpu.memory_space<hbm>> -> memref<1x64x768xf32, #tpu.memory_space<hbm>>
    %dma_wait3A_644 = tpu.memref_squeeze %dma_wait3A_643 : memref<1x64x768xf32, #tpu.memory_space<hbm>> -> memref<64x768xf32, #tpu.memory_space<hbm>>
    %dma_wait3A_645 = arith.constant 0 : i32
    %dma_wait3A_646 = arith.constant 0 : i32
    %dma_wait3A_647 = tpu.memref_slice %arg4[%dma_wait3A_633, %dma_wait3A_645, %dma_wait3A_646] : memref<2x64x768xf32, #tpu.memory_space<vmem>> -> memref<1x64x768xf32, #tpu.memory_space<vmem>>
    %dma_wait3A_648 = tpu.memref_squeeze %dma_wait3A_647 : memref<1x64x768xf32, #tpu.memory_space<vmem>> -> memref<64x768xf32, #tpu.memory_space<vmem>>
    tpu.wait_dma2 semaphore(%arg6 : memref<!tpu.dma_semaphore, #tpu.memory_space<semaphore_mem>>) src(%dma_wait3A_648 : memref<64x768xf32, #tpu.memory_space<vmem>>) dst(%dma_wait3A_644 : memref<64x768xf32, #tpu.memory_space<hbm>>)
    %dma_wait3A_649 = arith.constant 1 : i32
    %dma_wait3A_650 = arith.constant 3 : i32
    %dma_wait3A_651 = arith.constant 0 : i32
    %dma_wait3A_652 = arith.constant 0 : i32
    %dma_wait3A_653 = tpu.memref_slice %arg4[%dma_wait3A_649, %dma_wait3A_651, %dma_wait3A_652] : memref<2x64x768xf32, #tpu.memory_space<vmem>> -> memref<1x64x768xf32, #tpu.memory_space<vmem>>
    %dma_wait3A_654 = tpu.memref_squeeze %dma_wait3A_653 : memref<1x64x768xf32, #tpu.memory_space<vmem>> -> memref<64x768xf32, #tpu.memory_space<vmem>>
    %dma_wait3A_655 = arith.constant 0 : i32
    %dma_wait3A_656 = tpu.memref_slice %arg3[%dma_wait3A_650, %add3A_536, %dma_wait3A_655] : memref<4x8192x768xf32, #tpu.memory_space<hbm>> -> memref<1x64x768xf32, #tpu.memory_space<hbm>>
    %dma_wait3A_657 = tpu.memref_squeeze %dma_wait3A_656 : memref<1x64x768xf32, #tpu.memory_space<hbm>> -> memref<64x768xf32, #tpu.memory_space<hbm>>
    %dma_wait3A_658 = arith.constant 0 : i32
    %dma_wait3A_659 = tpu.memref_slice %arg3[%dma_wait3A_650, %add3A_536, %dma_wait3A_658] : memref<4x8192x768xf32, #tpu.memory_space<hbm>> -> memref<1x64x768xf32, #tpu.memory_space<hbm>>
    %dma_wait3A_660 = tpu.memref_squeeze %dma_wait3A_659 : memref<1x64x768xf32, #tpu.memory_space<hbm>> -> memref<64x768xf32, #tpu.memory_space<hbm>>
    %dma_wait3A_661 = arith.constant 0 : i32
    %dma_wait3A_662 = arith.constant 0 : i32
    %dma_wait3A_663 = tpu.memref_slice %arg4[%dma_wait3A_649, %dma_wait3A_661, %dma_wait3A_662] : memref<2x64x768xf32, #tpu.memory_space<vmem>> -> memref<1x64x768xf32, #tpu.memory_space<vmem>>
    %dma_wait3A_664 = tpu.memref_squeeze %dma_wait3A_663 : memref<1x64x768xf32, #tpu.memory_space<vmem>> -> memref<64x768xf32, #tpu.memory_space<vmem>>
    tpu.wait_dma2 semaphore(%arg6 : memref<!tpu.dma_semaphore, #tpu.memory_space<semaphore_mem>>) src(%dma_wait3A_664 : memref<64x768xf32, #tpu.memory_space<vmem>>) dst(%dma_wait3A_660 : memref<64x768xf32, #tpu.memory_space<hbm>>)
    return
  }
}

</mosaic_0001>

<sc_bundles>
// kernel: kernel.3.cloned.1.call-start
scs
__scs_entry_jumppad:
0x0: {  	(pc) =	sbr.rel $0x88, $3  }
0x1: {  	(tag) =	ssettag $0x0;
	lr =	simm.s32 $0x1  }
0x2: {  	[smem:$0x3FA0] =	sst lr;
	_ =	strace $0xD0000000  }
0x3: {  	_ = 	snop  }
0x4: {  	_ = 	snop  }
0x5: {  	_ = 	snop  }
0x6: {  	_ = 	snop  }
0x7: {  	_ = 	snop  }
__scs_overlays_trampoline_lowered:
0x8: {  	[smem:$0x3FAF] =	sst s0  }
0x9: {  	[smem:$0x3FB0] =	sst s1  }
0xa: {  	[smem:$0x3FB1] =	sst s2  }
0xb: {  	[smem:$0x3FB2] =	sst s3  }
0xc: {  	[smem:$0x3FB3] =	sst s4  }
0xd: {  	[smem:$0x3FB4] =	sst s5  }
0xe: {  	[smem:$0x3FB5] =	sst s6  }
0xf: {  	[smem:$0x3FB6] =	sst s7  }
0x10: {  	[smem:$0x3FB7] =	sst s8  }
0x11: {  	[smem:$0x3FB8] =	sst s9;
	s0 =	simm.s32 @!p0 $0x0  }
0x12: {  	s1 =	sld [smem:$0x3F9E];
	s0 =	simm.s32 @p0 $0x1  }
0x13: {  	[smem:$0x3FB9] =	sst s0;
	s0 =	simm.s32 @!p1 $0x0  }
0x14: {  	s2 =	sld [smem:$0x3F9D];
	s0 =	simm.s32 @p1 $0x1  }
0x15: {  	[smem:$0x3FBA] =	sst s0;
	s0 =	simm.s32 @!p2 $0x0  }
0x16: {  	s3 =	sld [smem:$0x3FDB];
	s0 =	simm.s32 @p2 $0x1  }
0x17: {  	s4 =	simm.s32 $0x1BF5;
	[smem:$0x3FBC] =	sst s0  }
0x18: {  	s0 =	sld [smem:$0x3F9F];
	_ =	swait.ge [sflag:s4], $0x0  }
0x19: {  	s7 =	sld [smem:$0x3FA0]  }
0x1a: {  	s8 =	sadd.s32 $0xFFFFE003, lr  }
0x1b: {  	s9 =	sadd.s32 $0xFFFFFEF7, lr;
	s5 =	simm.s32 $0xFFFFFFFF;
	p2 =	slt.u32 s8, $0xFFFFF086  }
0x1c: {  	p1 =	slt.u32 s9, $0xF7A;
	s5 =	simm.s32 @!p2 $0x0  }
0x1d: {  	s5 =	simm.s32 @p1 $0x1;
	p0 =	seq.s32 s7, s2  }
0x1e: {  	s7 =	smul.u32 @!p0 $0xF7A, s2;
	p2 =	seq.s32 @!p0 s5, $0x0  }
0x1f: {  	s9 =	smul.u32 $0xF7A, s1;
	s8 =	simm.s32 @!p0 $0x1BF5;
	p2 =	por !p2, p0  }
0x20: {  	[sflag:s8] =	ssyncset.s32 @!p0 $0xFFFFF086;
	s6 =	sadd.s32 @!p0 s3, s7;
	s7 =	simm.s32 @!p0 $0x108  }
0x21: {  	s3 =	sadd.s32 s3, s9;
	s6 =	sadd.s32 @!p0 $0x88, s6;
	s7 =	simm.s32 @p2 $0x1082  }
0x22: {  	[simem:s7], [sflag:s8] =	dma.local @!p0 [hbm:s6], $0xF7A  }
0x23: {  	s9 =	sor.u32 $0xD0000000, s2;
	s6 =	simm.s32 $0x108;
	_ =	swait.ge @!p0 [sflag:s8], $0x0  }
0x24: {  	s3 =	sadd.s32 $0x88, s3;
	s6 =	simm.s32 @!p1 $0x1082;
	[sflag:s4] =	ssyncset.s32 $0xFFFFF086  }
0x25: {  	[simem:s6], [sflag:s4] =	dma.local [hbm:s3], $0xF7A  }
0x26: {  	[smem:$0x3FA0] =	sst s1;
	(tag) =	ssettag s2;
	_ =	strace s9  }
0x27: {  	s1 =	sld [smem:$0x3FB0]  }
0x28: {  	s2 =	sld [smem:$0x3FB1]  }
0x29: {  	s4 =	sld [smem:$0x3FB3]  }
0x2a: {  	p0 =	seq.s32 s5, $0x0;
	s5 =	sld [smem:$0x3FB4]  }
0x2b: {  	s6 =	sld [smem:$0x3FB5]  }
0x2c: {  	s7 =	sld [smem:$0x3FB6]  }
0x2d: {  	s3 =	simm.s32 $0x108;
	s8 =	sld [smem:$0x3FB7]  }
0x2e: {  	s3 =	simm.s32 @!p0 $0x1082;
	s9 =	sld [smem:$0x3FB8]  }
0x2f: {  	lr =	sadd.s32 s0, s3;
	s0 =	sld [smem:$0x3FAF]  }
0x30: {  	s3 =	sld [smem:$0x3FB2]  }
0x31: {  	[smem:$0x3FBB] =	sst s10  }
0x32: {  	s10 =	sld [smem:$0x3FB9];
	_ =	sdelay $0x3  }
0x33: {  	p0 =	seq.s32 s10, $0x1;
	s10 =	sld [smem:$0x3FBB];
	_ =	sdelay $0x3  }
0x34: {  	[smem:$0x3FBB] =	sst s10  }
0x35: {  	s10 =	sld [smem:$0x3FBA];
	_ =	sdelay $0x3  }
0x36: {  	p1 =	seq.s32 s10, $0x1;
	s10 =	sld [smem:$0x3FBB];
	_ =	sdelay $0x3  }
0x37: {  	[smem:$0x3FBB] =	sst s10  }
0x38: {  	s10 =	sld [smem:$0x3FBC]  }
0x39: {  	_ = 	snop;
	(pc) =	sbr.ind lr, $3  }
0x3a: {  	_ = 	snop  }
0x3b: {  	_ = 	snop  }
0x3c: {  	p2 =	seq.s32 s10, $0x1;
	s10 =	sld [smem:$0x3FBB]  }
0x3d: {  	_ =	shalt  }
0x3e: {  	_ =	shalt  }
0x3f: {  	_ =	shalt  }
0x40: {  	_ =	shalt  }
0x41: {  	_ =	shalt  }
0x42: {  	_ =	shalt  }
0x43: {  	_ =	shalt  }
0x44: {  	_ =	shalt  }
0x45: {  	_ =	shalt  }
0x46: {  	_ =	shalt  }
0x47: {  	_ =	shalt  }
0x48: {  	_ =	shalt  }
0x49: {  	_ =	shalt  }
0x4a: {  	_ =	shalt  }
0x4b: {  	_ =	shalt  }
0x4c: {  	_ =	shalt  }
0x4d: {  	_ =	shalt  }
0x4e: {  	_ =	shalt  }
0x4f: {  	_ =	shalt  }
0x50: {  	_ =	shalt  }
0x51: {  	_ =	shalt  }
0x52: {  	_ =	shalt  }
0x53: {  	_ =	shalt  }
0x54: {  	_ =	shalt  }
0x55: {  	_ =	shalt  }
0x56: {  	_ =	shalt  }
0x57: {  	_ =	shalt  }
0x58: {  	_ =	shalt  }
0x59: {  	_ =	shalt  }
0x5a: {  	_ =	shalt  }
0x5b: {  	_ =	shalt  }
0x5c: {  	_ =	shalt  }
0x5d: {  	_ =	shalt  }
0x5e: {  	_ =	shalt  }
0x5f: {  	_ =	shalt  }
0x60: {  	_ =	shalt  }
0x61: {  	_ =	shalt  }
0x62: {  	_ =	shalt  }
0x63: {  	_ =	shalt  }
0x64: {  	_ =	shalt  }
0x65: {  	_ =	shalt  }
0x66: {  	_ =	shalt  }
0x67: {  	_ =	shalt  }
0x68: {  	_ =	shalt  }
0x69: {  	_ =	shalt  }
0x6a: {  	_ =	shalt  }
0x6b: {  	_ =	shalt  }
0x6c: {  	_ =	shalt  }
0x6d: {  	_ =	shalt  }
0x6e: {  	_ =	shalt  }
0x6f: {  	_ =	shalt  }
0x70: {  	_ =	shalt  }
0x71: {  	_ =	shalt  }
0x72: {  	_ =	shalt  }
0x73: {  	_ =	shalt  }
0x74: {  	_ =	shalt  }
0x75: {  	_ =	shalt  }
0x76: {  	_ =	shalt  }
0x77: {  	_ =	shalt  }
0x78: {  	_ =	shalt  }
0x79: {  	_ =	shalt  }
0x7a: {  	_ =	shalt  }
0x7b: {  	_ =	shalt  }
0x7c: {  	_ =	shalt  }
0x7d: {  	_ =	shalt  }
0x7e: {  	_ =	shalt  }
0x7f: {  	_ =	shalt  }
0x80: {  	_ =	shalt  }
0x81: {  	_ =	shalt  }
0x82: {  	_ =	shalt  }
0x83: {  	_ =	shalt  }
0x84: {  	_ =	shalt  }
0x85: {  	_ =	shalt  }
0x86: {  	_ =	shalt  }
0x87: {  	_ =	shalt  }
.Lfunc_end0:
.L_simem_size_0:
called_computation_lowered:
.L_overlay_start_0:
0x88: {  	s2 =	sld [smem:$0x3FD9]  }
0x89: {  	s3 =	sld [smem:$0x3FFE];
	_ =	sdelay $0x1  }
0x8a: {  	s1 =	srdreg.scid  }
0x8b: {  	s0 =	sand.u32 $0x1, s1  }
0x8c: {  	s18 =	sshll.u32 s0, $0xA;
	s2 =	sadd.s32 s3, s2  }
0x8d: {  	s2 =	sadd.s32 s2, s18  }
0x8e: {  	[smem:$0x3FC7] =	sst s2  }
0x8f: {  	_ = 	snop  }
0x90: {  	s2 =	sld [smem:$0x3FC9]  }
0x91: {  	s19 =	sld [smem:$0x3FD0];
	(tm) =	ssettm $0x1  }
0x92: {  	s4 =	sld [smem:$0x3FFB];
	_ =	sdelay $0x3  }
0x93: {  	_ =	strace s4  }
0x94: {  	s4 =	sld [smem:$0x3FFC];
	_ =	sdelay $0x3  }
0x95: {  	_ =	strace s4  }
0x96: {  	s4 =	sld [smem:$0x3FFD];
	_ =	sdelay $0x3  }
0x97: {  	_ =	strace s4  }
0x98: {  	_ =	strace $0x8FFFFFFF  }
0x99: {  	s20 =	sld [smem:$0x3FDB];
	_ =	sdelay $0x1  }
0x9a: {  	s5 =	simm.s32 $_scs_section_size  }
0x9b: {  	s6 =	simm.s32 $_size__tile_overlayer_lowered;
	s7 =	simm.s32 $_tile_overlayer_lowered  }
0x9c: {  	s23 =	simm.s32 $0x1BFF;
	s22 =	sshll.u32 s7, $0x1;
	s4 =	sadd.s32 s5, s20  }
0x9d: {  	s8 =	simm.s32 $0x0;
	s21 =	sshll.u32 s6, $0x1;
	s6 =	sadd.s32 s22, s4  }
0x9e: {  	[timem:s8], [sflag:s23] =	dma.local [hbm:s6], s21  }
0x9f: {  	_ =	swait.ge [sflag:s23], s21  }
0xa0: {  	s5 =	ssub.s32 $0x0, s21;
	[sflag:s23] =	ssyncset.done $0x0  }
0xa1: {  	[sflag:s23] =	ssyncadd.s32 s5;
	_ =	sdelay $0x1  }
0xa2: {  	s24 =	simm.s32 $0x1B8B  }
0xa3: {  	_ =	swait.ge [sflag:s24], $0x1  }
0xa4: {  	[sflag:s24] =	ssyncset.done $0x0  }
0xa5: {  	s25 =	simm.s32 $0x1B8E;
	[sflag:s24] =	ssyncadd.s32 $0xFFFFFFFF  }
0xa6: {  	s26 =	simm.s32 $execute0_lowered;
	[smem:$0x3FD2] =	sst s25  }
0xa7: {  	s5 =	sshll.u32 s26, $0x1;
	_ =	strace $0x80000046;
	[dreg:$0x1] =	wrdreg $0xFFFFFFFF  }
0xa8: {  	s28 =	simm.s32 $_size_execute0_lowered;
	s4 =	sadd.s32 s4, s5;
	[dreg:$0x0] =	wrdreg $0x0  }
0xa9: {  	s5 =	sshll.u32 s28, $0x1;
	[dreg:$0x2] =	wrdreg s4  }
0xaa: {  	[dreg:$0x3] =	wrdreg s5  }
0xab: {  	[dreg:$0x4] =	wrdreg $0xC0  }
0xac: {  	_ =	task [dreg:s8], $0x5FFFF  }
0xad: {  	[dreg:$0x1] =	wrdreg $0xFFFFFFFF  }
0xae: {  	[dreg:$0x0] =	wrdreg $0x60  }
0xaf: {  	[dreg:$0x2] =	wrdreg s2  }
0xb0: {  	[dreg:$0x3] =	wrdreg s19  }
0xb1: {  	[dreg:$0x4] =	wrdreg $0x9  }
0xb2: {  	_ =	task.clear_ibuf [dreg:s8], $0x5FFFF;
	_ =	strace $0x90000046  }
0xb3: {  	s29 =	simm.s32 $0x9;
	_ =	strace $0x80000048  }
0xb4: {  	_ =	swait.ge [sflag:s29], $0x1  }
0xb5: {  	[sflag:s29] =	ssyncadd.s32 $0xFFFFFFFF  }
0xb6: {  	_ =	strace $0x90000048  }
0xb7: {  	_ =	sfence  }
0xb8: {  	s30 =	sld [smem:$0x0];
	_ =	sdelay $0x2  }
0xb9: {  	s31 =	sshll.u32 s1, $0xD;
	s1 =	sshrl.u32 s1, $0x2  }
0xba: {  	s3 =	sand.u32 $0x4000, s31;
	s1 =	sadd.s32 s1, s30  }
0xbb: {  	s0 =	sor.u32 s3, s0;
	s1 =	sshll.u32 s1, $0x11  }
0xbc: {  	s0 =	sor.u32 s1, s0  }
0xbd: {  	s0 =	sadd.s32 $0x8F2B, s0  }
0xbe: {  	[sflag:s0] =	ssyncadd.remote.s32 $0x1  }
0xbf: {  	_ =	sfence.sel $0xFFFF  }
0xc0: {  	[dreg:$0x0] =	wrdreg $0xFFFFFFFF;
	(pc) =	sbr.abs _section_cstart, $3  }
0xc1: {  	[dreg:$0x1] =	wrdreg $0xFFFFFFFF  }
0xc2: {  	_ =	task.clear_ibuf [dreg:s8], $0x2FFFF;
	_ =	strace $0x9FFFFFFF  }
0xc3: {  	(tm) =	ssettm $0x7FFFFFFF  }
tec
execute0_lowered:
.L_overlay_start_1:
0x0: {  	(tag) =	ssettag $0x1  }
0x1: {  	s1 =	srdreg.scid  }
0x2: {  	s0 =	stileid.u32;
	s26 =	sand.u32 $0x1, s1  }
0x3: {  	s31 =	sshll.u32 s0, $0x6;
	s2 =	sshll.u32 s26, $0x5  }
0x4: {  	s1 =	sor.u32 s2, s31  }
0x5: {  	s17 =	rddreg [dreg:$0x0];
	s3 =	smul.u32 $0x1800, s1  }
0x6: {  	s22 =	rddreg [dreg:$0x1];
	s2 =	simm.s32 $0x0  }
0x7: {  	s4 =	simm.s32 $0x1;
	[smem:$0x7FF] =	sst s2;
	s18 =	sshrl.u32 s3, $0x3  }
0x8: {  	s1 =	rddreg [dreg:$0x2];
	_ =	strace $0x80000047;
	s3 =	sadd.s32 s17, s18  }
0x9: {  	[tilespmem:s2], [sflag:$0x1] =	stream.linear.gather [hbm4b:s3+s2], $0xC000, $0x38;
	[tilespmem:$0x18000] =	vst v63  }
0xa: {  	_ =	swait.ge [sflag:s4], $0xC000  }
0xb: {  	s13 =	sor.u32 $0x1800, s18;
	[sflag:s4] =	ssyncset.done $0x0  }
0xc: {  	s6 =	simm.s32 $0xC000;
	s5 =	sadd.s32 s17, s13;
	[sflag:s4] =	ssyncadd.s32 $0xFFFF4000  }
0xd: {  	[tilespmem:s6], [sflag:$0x1] =	stream.linear.gather [hbm4b:s5+s2], $0xC000, $0x38;
	[tilespmem:$0x18000] =	vst v63  }
0xe: {  	s7 =	sadd.s32 s22, s18  }
0xf: {  	[hbm4b:s7+s2] =	stream.linear.scatter [tilespmem:s2], [sflag:$0x2], $0xC000, $0x38;
	[tilespmem:$0x18000] =	vst v63  }
0x10: {  	s8 =	sadd.s32 $0xC0000, s7  }
0x11: {  	[hbm4b:s8+s2] =	stream.linear.scatter [tilespmem:s2], [sflag:$0x2], $0xC000, $0x38;
	[tilespmem:$0x18000] =	vst v63  }
0x12: {  	s9 =	sadd.s32 $0x180000, s7  }
0x13: {  	[hbm4b:s9+s2] =	stream.linear.scatter [tilespmem:s2], [sflag:$0x2], $0xC000, $0x38;
	[tilespmem:$0x18000] =	vst v63  }
0x14: {  	s10 =	sadd.s32 $0x240000, s7  }
0x15: {  	[hbm4b:s10+s2] =	stream.linear.scatter [tilespmem:s2], [sflag:$0x2], $0xC000, $0x38;
	[tilespmem:$0x18000] =	vst v63  }
0x16: {  	_ =	swait.ge [sflag:s4], $0xC000  }
0x17: {  	[sflag:s4] =	ssyncset.done $0x0  }
0x18: {  	s11 =	simm.s32 $0x2;
	[sflag:s4] =	ssyncadd.s32 $0xFFFF4000  }
0x19: {  	_ =	swait.ge [sflag:s11], $0xC000  }
0x1a: {  	[sflag:s11] =	ssyncset.done $0x0  }
0x1b: {  	[sflag:s11] =	ssyncadd.s32 $0xFFFF4000  }
0x1c: {  	_ =	swait.ge [sflag:s11], $0xC000  }
0x1d: {  	[sflag:s11] =	ssyncset.done $0x0  }
0x1e: {  	[sflag:s11] =	ssyncadd.s32 $0xFFFF4000  }
0x1f: {  	_ =	swait.ge [sflag:s11], $0xC000  }
0x20: {  	[sflag:s11] =	ssyncset.done $0x0  }
0x21: {  	[sflag:s11] =	ssyncadd.s32 $0xFFFF4000  }
0x22: {  	_ =	swait.ge [sflag:s11], $0xC000  }
0x23: {  	s19 =	sadd.s32 $0x3000, s18;
	[sflag:s11] =	ssyncset.done $0x0  }
0x24: {  	s12 =	sadd.s32 s17, s19;
	[sflag:s11] =	ssyncadd.s32 $0xFFFF4000  }
0x25: {  	[tilespmem:s2], [sflag:$0x1] =	stream.linear.gather [hbm4b:s12+s2], $0xC000, $0x38;
	[tilespmem:$0x18000] =	vst v63  }
0x26: {  	s13 =	sadd.s32 s22, s13  }
0x27: {  	[hbm4b:s13+s2] =	stream.linear.scatter [tilespmem:s6], [sflag:$0x2], $0xC000, $0x38;
	[tilespmem:$0x18000] =	vst v63  }
0x28: {  	s14 =	sadd.s32 $0xC1800, s7  }
0x29: {  	[hbm4b:s14+s2] =	stream.linear.scatter [tilespmem:s6], [sflag:$0x2], $0xC000, $0x38;
	[tilespmem:$0x18000] =	vst v63  }
0x2a: {  	s15 =	sadd.s32 $0x181800, s7  }
0x2b: {  	[hbm4b:s15+s2] =	stream.linear.scatter [tilespmem:s6], [sflag:$0x2], $0xC000, $0x38;
	[tilespmem:$0x18000] =	vst v63  }
0x2c: {  	s16 =	sadd.s32 $0x241800, s7  }
0x2d: {  	[hbm4b:s16+s2] =	stream.linear.scatter [tilespmem:s6], [sflag:$0x2], $0xC000, $0x38;
	[tilespmem:$0x18000] =	vst v63  }
0x2e: {  	_ =	swait.ge [sflag:s4], $0xC000  }
0x2f: {  	[sflag:s4] =	ssyncset.done $0x0  }
0x30: {  	[sflag:s4] =	ssyncadd.s32 $0xFFFF4000  }
0x31: {  	_ =	swait.ge [sflag:s11], $0xC000  }
0x32: {  	[sflag:s11] =	ssyncset.done $0x0  }
0x33: {  	[sflag:s11] =	ssyncadd.s32 $0xFFFF4000  }
0x34: {  	_ =	swait.ge [sflag:s11], $0xC000  }
0x35: {  	[sflag:s11] =	ssyncset.done $0x0  }
0x36: {  	[sflag:s11] =	ssyncadd.s32 $0xFFFF4000  }
0x37: {  	_ =	swait.ge [sflag:s11], $0xC000  }
0x38: {  	[sflag:s11] =	ssyncset.done $0x0  }
0x39: {  	[sflag:s11] =	ssyncadd.s32 $0xFFFF4000  }
0x3a: {  	_ =	swait.ge [sflag:s11], $0xC000  }
0x3b: {  	s23 =	sadd.s32 $0x4800, s18;
	[sflag:s11] =	ssyncset.done $0x0  }
0x3c: {  	s17 =	sadd.s32 s17, s23;
	[sflag:s11] =	ssyncadd.s32 $0xFFFF4000  }
0x3d: {  	[tilespmem:s6], [sflag:$0x1] =	stream.linear.gather [hbm4b:s17+s2], $0xC000, $0x38;
	[tilespmem:$0x18000] =	vst v63  }
0x3e: {  	s18 =	sadd.s32 s22, s19  }
0x3f: {  	[hbm4b:s18+s2] =	stream.linear.scatter [tilespmem:s2], [sflag:$0x2], $0xC000, $0x38;
	[tilespmem:$0x18000] =	vst v63  }
0x40: {  	s19 =	sadd.s32 $0xC3000, s7  }
0x41: {  	[hbm4b:s19+s2] =	stream.linear.scatter [tilespmem:s2], [sflag:$0x2], $0xC000, $0x38;
	[tilespmem:$0x18000] =	vst v63  }
0x42: {  	s20 =	sadd.s32 $0x183000, s7  }
0x43: {  	[hbm4b:s20+s2] =	stream.linear.scatter [tilespmem:s2], [sflag:$0x2], $0xC000, $0x38;
	[tilespmem:$0x18000] =	vst v63  }
0x44: {  	s21 =	sadd.s32 $0x243000, s7  }
0x45: {  	[hbm4b:s21+s2] =	stream.linear.scatter [tilespmem:s2], [sflag:$0x2], $0xC000, $0x38;
	[tilespmem:$0x18000] =	vst v63  }
0x46: {  	_ =	swait.ge [sflag:s4], $0xC000  }
0x47: {  	[sflag:s4] =	ssyncset.done $0x0  }
0x48: {  	[sflag:s4] =	ssyncadd.s32 $0xFFFF4000  }
0x49: {  	_ =	swait.ge [sflag:s11], $0xC000  }
0x4a: {  	[sflag:s11] =	ssyncset.done $0x0  }
0x4b: {  	[sflag:s11] =	ssyncadd.s32 $0xFFFF4000  }
0x4c: {  	_ =	swait.ge [sflag:s11], $0xC000  }
0x4d: {  	[sflag:s11] =	ssyncset.done $0x0  }
0x4e: {  	[sflag:s11] =	ssyncadd.s32 $0xFFFF4000  }
0x4f: {  	_ =	swait.ge [sflag:s11], $0xC000  }
0x50: {  	[sflag:s11] =	ssyncset.done $0x0  }
0x51: {  	[sflag:s11] =	ssyncadd.s32 $0xFFFF4000  }
0x52: {  	_ =	swait.ge [sflag:s11], $0xC000  }
0x53: {  	[sflag:s11] =	ssyncset.done $0x0  }
0x54: {  	s22 =	sadd.s32 s22, s23;
	[sflag:s11] =	ssyncadd.s32 $0xFFFF4000  }
0x55: {  	[hbm4b:s22+s2] =	stream.linear.scatter [tilespmem:s6], [sflag:$0x2], $0xC000, $0x38;
	[tilespmem:$0x18000] =	vst v63  }
0x56: {  	s23 =	sadd.s32 $0xC4800, s7  }
0x57: {  	[hbm4b:s23+s2] =	stream.linear.scatter [tilespmem:s6], [sflag:$0x2], $0xC000, $0x38;
	[tilespmem:$0x18000] =	vst v63  }
0x58: {  	s24 =	sadd.s32 $0x184800, s7  }
0x59: {  	[hbm4b:s24+s2] =	stream.linear.scatter [tilespmem:s6], [sflag:$0x2], $0xC000, $0x38;
	[tilespmem:$0x18000] =	vst v63  }
0x5a: {  	s25 =	sadd.s32 $0x244800, s7  }
0x5b: {  	[hbm4b:s25+s2] =	stream.linear.scatter [tilespmem:s6], [sflag:$0x2], $0xC000, $0x38;
	[tilespmem:$0x18000] =	vst v63  }
0x5c: {  	_ =	swait.ge [sflag:s11], $0xC000  }
0x5d: {  	s26 =	ssub.s32 $0x2, s26;
	[sflag:s11] =	ssyncset.done $0x0  }
0x5e: {  	s28 =	sshrl.u32 s26, $0x1;
	[sflag:s11] =	ssyncadd.s32 $0xFFFF4000  }
0x5f: {  	s26 =	ssub.s32 s26, s28;
	_ =	swait.ge [sflag:s11], $0xC000  }
0x60: {  	s26 =	smax.u32 s26, $0x1;
	[sflag:s11] =	ssyncset.done $0x0  }
0x61: {  	p0 =	sne.s32 s26, $0x1;
	[sflag:s11] =	ssyncadd.s32 $0xFFFF4000  }
.Ltmp0:
0x62: {  	_ =	swait.ge [sflag:s11], $0xC000;
	(pc) =	sbr.rel @!p0 .LBB2_2-.Ltmp0, $4  }
0x63: {  	[sflag:s11] =	ssyncset.done $0x0  }
0x64: {  	[sflag:s11] =	ssyncadd.s32 $0xFFFF4000  }
0x65: {  	_ =	swait.ge [sflag:s11], $0xC000  }
0x66: {  	s26 =	sadd.s32 $0xFFFFFFFF, s26;
	[sflag:s11] =	ssyncset.done $0x0  }
.LBB2_1:
0x67: {  	p0 =	sne.s32 s26, $0x1;
	s26 =	sadd.s32 $0xFFFFFFFF, s26;
	[sflag:s11] =	ssyncadd.s32 $0xFFFF4000  }
0x68: {  	[tilespmem:s2], [sflag:$0x1] =	stream.linear.gather [hbm4b:s3+s2], $0xC000, $0x38;
	[tilespmem:$0x18000] =	vst v63  }
0x69: {  	_ =	swait.ge [sflag:s4], $0xC000  }
0x6a: {  	[sflag:s4] =	ssyncset.done $0x0  }
0x6b: {  	[sflag:s4] =	ssyncadd.s32 $0xFFFF4000  }
0x6c: {  	[tilespmem:s6], [sflag:$0x1] =	stream.linear.gather [hbm4b:s5+s2], $0xC000, $0x38;
	[tilespmem:$0x18000] =	vst v63  }
0x6d: {  	_ = 	snop  }
0x6e: {  	[hbm4b:s7+s2] =	stream.linear.scatter [tilespmem:s2], [sflag:$0x2], $0xC000, $0x38;
	[tilespmem:$0x18000] =	vst v63  }
0x6f: {  	_ = 	snop  }
0x70: {  	[hbm4b:s8+s2] =	stream.linear.scatter [tilespmem:s2], [sflag:$0x2], $0xC000, $0x38;
	[tilespmem:$0x18000] =	vst v63  }
0x71: {  	_ = 	snop  }
0x72: {  	[hbm4b:s9+s2] =	stream.linear.scatter [tilespmem:s2], [sflag:$0x2], $0xC000, $0x38;
	[tilespmem:$0x18000] =	vst v63  }
0x73: {  	_ = 	snop  }
0x74: {  	[hbm4b:s10+s2] =	stream.linear.scatter [tilespmem:s2], [sflag:$0x2], $0xC000, $0x38;
	[tilespmem:$0x18000] =	vst v63  }
0x75: {  	_ =	swait.ge [sflag:s4], $0xC000  }
0x76: {  	[sflag:s4] =	ssyncset.done $0x0  }
0x77: {  	[sflag:s4] =	ssyncadd.s32 $0xFFFF4000  }
0x78: {  	_ =	swait.ge [sflag:s11], $0xC000  }
0x79: {  	[sflag:s11] =	ssyncset.done $0x0  }
0x7a: {  	[sflag:s11] =	ssyncadd.s32 $0xFFFF4000  }
0x7b: {  	_ =	swait.ge [sflag:s11], $0xC000  }
0x7c: {  	[sflag:s11] =	ssyncset.done $0x0  }
0x7d: {  	[sflag:s11] =	ssyncadd.s32 $0xFFFF4000  }
0x7e: {  	_ =	swait.ge [sflag:s11], $0xC000  }
0x7f: {  	[sflag:s11] =	ssyncset.done $0x0  }
0x80: {  	[sflag:s11] =	ssyncadd.s32 $0xFFFF4000  }
0x81: {  	_ =	swait.ge [sflag:s11], $0xC000  }
0x82: {  	[sflag:s11] =	ssyncset.done $0x0  }
0x83: {  	[sflag:s11] =	ssyncadd.s32 $0xFFFF4000  }
0x84: {  	[tilespmem:s2], [sflag:$0x1] =	stream.linear.gather [hbm4b:s12+s2], $0xC000, $0x38;
	[tilespmem:$0x18000] =	vst v63  }
0x85: {  	_ = 	snop  }
0x86: {  	[hbm4b:s13+s2] =	stream.linear.scatter [tilespmem:s6], [sflag:$0x2], $0xC000, $0x38;
	[tilespmem:$0x18000] =	vst v63  }
0x87: {  	_ = 	snop  }
0x88: {  	[hbm4b:s14+s2] =	stream.linear.scatter [tilespmem:s6], [sflag:$0x2], $0xC000, $0x38;
	[tilespmem:$0x18000] =	vst v63  }
0x89: {  	_ = 	snop  }
0x8a: {  	[hbm4b:s15+s2] =	stream.linear.scatter [tilespmem:s6], [sflag:$0x2], $0xC000, $0x38;
	[tilespmem:$0x18000] =	vst v63  }
0x8b: {  	_ = 	snop  }
0x8c: {  	[hbm4b:s16+s2] =	stream.linear.scatter [tilespmem:s6], [sflag:$0x2], $0xC000, $0x38;
	[tilespmem:$0x18000] =	vst v63  }
0x8d: {  	_ =	swait.ge [sflag:s4], $0xC000  }
0x8e: {  	[sflag:s4] =	ssyncset.done $0x0  }
0x8f: {  	[sflag:s4] =	ssyncadd.s32 $0xFFFF4000  }
0x90: {  	_ =	swait.ge [sflag:s11], $0xC000  }
0x91: {  	[sflag:s11] =	ssyncset.done $0x0  }
0x92: {  	[sflag:s11] =	ssyncadd.s32 $0xFFFF4000  }
0x93: {  	_ =	swait.ge [sflag:s11], $0xC000  }
0x94: {  	[sflag:s11] =	ssyncset.done $0x0  }
0x95: {  	[sflag:s11] =	ssyncadd.s32 $0xFFFF4000  }
0x96: {  	_ =	swait.ge [sflag:s11], $0xC000  }
0x97: {  	[sflag:s11] =	ssyncset.done $0x0  }
0x98: {  	[sflag:s11] =	ssyncadd.s32 $0xFFFF4000  }
0x99: {  	_ =	swait.ge [sflag:s11], $0xC000  }
0x9a: {  	[sflag:s11] =	ssyncset.done $0x0  }
0x9b: {  	[sflag:s11] =	ssyncadd.s32 $0xFFFF4000  }
0x9c: {  	[tilespmem:s6], [sflag:$0x1] =	stream.linear.gather [hbm4b:s17+s2], $0xC000, $0x38;
	[tilespmem:$0x18000] =	vst v63  }
0x9d: {  	_ = 	snop  }
0x9e: {  	[hbm4b:s18+s2] =	stream.linear.scatter [tilespmem:s2], [sflag:$0x2], $0xC000, $0x38;
	[tilespmem:$0x18000] =	vst v63  }
0x9f: {  	_ = 	snop  }
0xa0: {  	[hbm4b:s19+s2] =	stream.linear.scatter [tilespmem:s2], [sflag:$0x2], $0xC000, $0x38;
	[tilespmem:$0x18000] =	vst v63  }
0xa1: {  	_ = 	snop  }
0xa2: {  	[hbm4b:s20+s2] =	stream.linear.scatter [tilespmem:s2], [sflag:$0x2], $0xC000, $0x38;
	[tilespmem:$0x18000] =	vst v63  }
0xa3: {  	_ = 	snop  }
0xa4: {  	[hbm4b:s21+s2] =	stream.linear.scatter [tilespmem:s2], [sflag:$0x2], $0xC000, $0x38;
	[tilespmem:$0x18000] =	vst v63  }
0xa5: {  	_ =	swait.ge [sflag:s4], $0xC000  }
0xa6: {  	[sflag:s4] =	ssyncset.done $0x0  }
0xa7: {  	[sflag:s4] =	ssyncadd.s32 $0xFFFF4000  }
0xa8: {  	_ =	swait.ge [sflag:s11], $0xC000  }
0xa9: {  	[sflag:s11] =	ssyncset.done $0x0  }
0xaa: {  	[sflag:s11] =	ssyncadd.s32 $0xFFFF4000  }
0xab: {  	_ =	swait.ge [sflag:s11], $0xC000  }
0xac: {  	[sflag:s11] =	ssyncset.done $0x0  }
0xad: {  	[sflag:s11] =	ssyncadd.s32 $0xFFFF4000  }
0xae: {  	_ =	swait.ge [sflag:s11], $0xC000  }
0xaf: {  	[sflag:s11] =	ssyncset.done $0x0  }
0xb0: {  	[sflag:s11] =	ssyncadd.s32 $0xFFFF4000  }
0xb1: {  	_ =	swait.ge [sflag:s11], $0xC000  }
0xb2: {  	[sflag:s11] =	ssyncset.done $0x0  }
0xb3: {  	[sflag:s11] =	ssyncadd.s32 $0xFFFF4000  }
0xb4: {  	[hbm4b:s22+s2] =	stream.linear.scatter [tilespmem:s6], [sflag:$0x2], $0xC000, $0x38;
	[tilespmem:$0x18000] =	vst v63  }
0xb5: {  	_ = 	snop  }
0xb6: {  	[hbm4b:s23+s2] =	stream.linear.scatter [tilespmem:s6], [sflag:$0x2], $0xC000, $0x38;
	[tilespmem:$0x18000] =	vst v63  }
0xb7: {  	_ = 	snop  }
0xb8: {  	[hbm4b:s24+s2] =	stream.linear.scatter [tilespmem:s6], [sflag:$0x2], $0xC000, $0x38;
	[tilespmem:$0x18000] =	vst v63  }
0xb9: {  	_ = 	snop  }
0xba: {  	[hbm4b:s25+s2] =	stream.linear.scatter [tilespmem:s6], [sflag:$0x2], $0xC000, $0x38;
	[tilespmem:$0x18000] =	vst v63  }
0xbb: {  	_ =	swait.ge [sflag:s11], $0xC000  }
0xbc: {  	[sflag:s11] =	ssyncset.done $0x0  }
0xbd: {  	[sflag:s11] =	ssyncadd.s32 $0xFFFF4000  }
0xbe: {  	_ =	swait.ge [sflag:s11], $0xC000  }
0xbf: {  	[sflag:s11] =	ssyncset.done $0x0  }
0xc0: {  	[sflag:s11] =	ssyncadd.s32 $0xFFFF4000  }
.Ltmp1:
0xc1: {  	_ =	swait.ge [sflag:s11], $0xC000;
	(pc) =	sbr.rel @p0 .LBB2_1-.Ltmp1, $4  }
0xc2: {  	[sflag:s11] =	ssyncset.done $0x0  }
0xc3: {  	[sflag:s11] =	ssyncadd.s32 $0xFFFF4000  }
0xc4: {  	_ =	swait.ge [sflag:s11], $0xC000  }
0xc5: {  	[sflag:s11] =	ssyncset.done $0x0  }
.LBB2_2:
0xc6: {  	[sflag:s11] =	ssyncadd.s32 $0xFFFF4000  }
0xc7: {  	_ =	sfence.sel $0x180000  }
0xc8: {  	[bflag:$0x0] =	sbarrier.arrive $0xFFFF  }
0xc9: {  	p0 =	sne.s32 s0, $0x0;
	_ =	strace $0x90000047  }
0xca: {  	s0 =	sadd.s32 @!p0 $0x100000, s1;
	[bflag:$0x2] =	sbarrier.arrive $0xFFFF  }
0xcb: {  	[sflag:s0] =	ssyncadd.tile.s32 @!p0 $0x1;
	_ =	shalt  }
.Lfunc_end2:
_tile_overlayer_lowered:
.L_overlay_start_2:
0xcc: {  	(tag) =	ssettag $0x2  }
0xcd: {  	s0 =	rddreg [dreg:$0x0];
	s2 =	stileid.u32  }
0xce: {  	s1 =	rddreg [dreg:$0x1];
	p0 =	sne.s32 s2, $0x0  }
0xcf: {  	s3 =	rddreg [dreg:$0x2];
	[bflag:$0x3] =	sbarrier.arrive $0xFFFF;
	s2 =	simm.s32 @!p0 $0x1C03  }
0xd0: {  	[timem:s3], [sflag:s2] =	dma.local @!p0 [hbm:s0], s1  }
0xd1: {  	s0 =	simm.s32 @!p0 $0x3  }
0xd2: {  	_ =	swait.ge @!p0 [sflag:s0], s1  }
0xd3: {  	s1 =	ssub.s32 @!p0 $0x0, s1;
	[sflag:s0] =	ssyncset.done @!p0 $0x0  }
0xd4: {  	[sflag:s0] =	ssyncadd.s32 @!p0 s1  }
0xd5: {  	[bflag:$0x3] =	sbarrier.arrive $0xFFFF  }
0xd6: {  	_ =	shalt  }

</sc_bundles>
